<compile_context>
chip_gen: v7x
topology: tpu7x:2x2x1
jax: 0.10.2.dev20260603
libtpu: 0.0.44.dev20260713+nightly
codegen_flags: <defaults>
</compile_context>

<pallas_src>
import functools

import jax
import jax.numpy as jnp
from jax import lax
from jax.experimental import pallas as pl
from jax.experimental.pallas import tpu as pltpu
from jax.experimental.pallas import tpu_sc as plsc

_L = 16


def _sc_gather_scan(table_t, idx, tail, batch, dim):
    info = plsc.get_sparse_core_info()
    ncores = info.num_cores
    num_workers = ncores * info.num_subcores
    vocab = table_t.shape[1]
    nblk = vocab // 128
    base_cnt = nblk // num_workers
    rem = nblk % num_workers
    hits_cap = batch + _L * 8
    mesh = plsc.VectorSubcoreMesh(core_axis_name="c", subcore_axis_name="s")

    @functools.partial(
        pl.kernel,
        mesh=mesh,
        out_type=jax.ShapeDtypeStruct((batch, dim), jnp.float32),
        scratch_types=[
            pltpu.VMEM((batch,), jnp.int32),
            pltpu.VMEM((hits_cap,), jnp.int32),
            pltpu.VMEM((hits_cap,), jnp.int32),
            pltpu.VMEM((dim, 512), jnp.float32),
            pltpu.VMEM((dim, 512), jnp.float32),
            pltpu.VMEM((dim, dim), jnp.float32),
            pltpu.VMEM((8, dim), jnp.float32),
            pltpu.SemaphoreType.DMA,
            pltpu.SemaphoreType.DMA,
            pltpu.SemaphoreType.DMA,
        ],
        compiler_params=pltpu.CompilerParams(
            use_tc_tiling_on_sc=True, needs_layout_passes=False
        ),
    )
    def scan_kernel(tab_hbm, idx_hbm, tail_hbm, out_hbm, idx_v, hits_a,
                    hits_b, stg_a, stg_b, tail_v, ring_v, sem_a, sem_b,
                    sem_o):
        wid = lax.axis_index("s") * ncores + lax.axis_index("c")
        count = base_cnt + jnp.where(wid < rem, 1, 0)
        start = base_cnt * wid + jnp.minimum(wid, rem)
        lo = start * 128
        span = count * 128 + jnp.where(wid == num_workers - 1, dim, 0)
        iota = lax.iota(jnp.int32, _L)
        zeros = jnp.zeros((_L,), jnp.int32)

        def fire(stg, sem, s):
            blk = jnp.minimum(4 * s, count - 4)
            col = pl.multiple_of(lo + blk * 128, 128)
            pltpu.async_copy(
                tab_hbm.at[:, pl.ds(col, 512)], stg, sem
            )

        def fetch_base(s):
            return jnp.minimum(4 * s, count - 4) * 128

        def drain_stage(stg, sem):
            pltpu.make_async_copy(
                tab_hbm.at[:, pl.ds(0, 512)], stg, sem
            ).wait()

        fire(stg_a, sem_a, 0)
        fire(stg_b, sem_b, 1)

        pltpu.sync_copy(idx_hbm, idx_v)
        pltpu.sync_copy(tail_hbm, tail_v)

        def bucket(q, offv):
            v = idx_v[pl.ds(q * _L, _L)]
            c = v - lo
            m = jnp.logical_and(c >= 0, c < span)
            packed = jnp.bitwise_or(
                lax.shift_left(c, 14), iota + q * _L
            )
            pos = offv + plsc.cumsum(jnp.where(m, 1, 0)) - 1
            plsc.store_scatter(hits_a, [pos], packed, mask=m)
            return offv + plsc.all_reduce_population_count(m)

        offv = lax.fori_loop(0, batch // _L, bucket, zeros)
        n = offv[0]
        nch = lax.shift_right_logical(n + _L - 1, 4)

        def radix(bit, src, dst):
            shift = 23 + bit

            def cnt(q, zv):
                x = src[pl.ds(q * _L, _L)]
                valid = (iota + q * _L) < n
                one = jnp.bitwise_and(
                    lax.shift_right_logical(x, shift), 1
                ) == 1
                z = jnp.logical_and(valid, jnp.logical_not(one))
                return zv + plsc.all_reduce_population_count(z)

            n0v = lax.fori_loop(0, nch, cnt, zeros)

            def scat(q, carry):
                c0v, c1v = carry
                x = src[pl.ds(q * _L, _L)]
                valid = (iota + q * _L) < n
                one = jnp.bitwise_and(
                    lax.shift_right_logical(x, shift), 1
                ) == 1
                z = jnp.logical_and(valid, jnp.logical_not(one))
                o = jnp.logical_and(valid, one)
                pz = c0v + plsc.cumsum(jnp.where(z, 1, 0)) - 1
                po = n0v + c1v + plsc.cumsum(jnp.where(o, 1, 0)) - 1
                plsc.store_scatter(dst, [pz], x, mask=z)
                plsc.store_scatter(dst, [po], x, mask=o)
                return (c0v + plsc.all_reduce_population_count(z),
                        c1v + plsc.all_reduce_population_count(o))

            lax.fori_loop(0, nch, scat, (zeros, zeros))

        for bit in range(6):
            if bit % 2 == 0:
                radix(bit, hits_a, hits_b)
            else:
                radix(bit, hits_b, hits_a)

        def hread(p):
            return hits_a[pl.ds(p, _L)][0]

        def process(stg, blk, p0, super_s=None):
            def cond(p):
                h = hread(p)
                if super_s is None:
                    m = lax.shift_right_logical(h, 21) == blk
                else:
                    m = jnp.logical_and(
                        lax.shift_right_logical(h, 23) == super_s,
                        lax.shift_right_logical(h, 21) < count,
                    )
                return jnp.logical_and(p < n, m)

            def body(p):
                h = hread(p)
                c_loc = lax.shift_right_logical(h, 14)
                if super_s is None:
                    lane = jnp.bitwise_and(c_loc, 127)
                else:
                    lane = c_loc - fetch_base(super_s)
                b = jnp.bitwise_and(h, 16383)
                slot = jnp.bitwise_and(p, 7)

                @pl.when(p >= 8)
                def _():
                    pltpu.make_async_copy(
                        out_hbm.at[pl.ds(0, 1)], ring_v.at[pl.ds(0, 1)],
                        sem_o,
                    ).wait()

                lsp = jnp.full((_L,), lane, jnp.int32)
                ssp = jnp.full((_L,), slot, jnp.int32)
                pltpu.async_copy(
                    ring_v.at[pl.ds(slot, 1)], out_hbm.at[pl.ds(b, 1)],
                    sem_o,
                )
                return p + 1

            return lax.while_loop(cond, body, p0)

        def pair_body(j, p):
            s0 = 2 * j
            drain_stage(stg_a, sem_a)
            p = process(stg_a, 0, p, super_s=s0)
            fire(stg_a, sem_a, s0 + 2)
            drain_stage(stg_b, sem_b)
            p = process(stg_b, 0, p, super_s=s0 + 1)
            fire(stg_b, sem_b, s0 + 3)
            return p

        scount = lax.shift_right_logical(count + 3, 2)
        npairs = lax.shift_right_logical(scount + 1, 1)
        p = lax.fori_loop(0, npairs, pair_body, 0)
        drain_stage(stg_a, sem_a)
        drain_stage(stg_b, sem_b)

        p = process(tail_v, count, p)

        def fdrain(i, c):
            pltpu.make_async_copy(
                out_hbm.at[pl.ds(0, 1)], ring_v.at[pl.ds(0, 1)], sem_o
            ).wait()
            return c

        lax.fori_loop(0, jnp.minimum(n, 8), fdrain, 0)

    return scan_kernel(table_t, idx, tail)


def kernel(entity_table, indices):
    batch = indices.shape[0]
    vocab, dim = entity_table.shape
    table_t = jnp.transpose(entity_table)
    tail = table_t[:, (vocab // 128) * 128:]
    return _sc_gather_scan(
        table_t, indices.astype(jnp.int32), tail, batch, dim
    )

# --- scband reference (transcript-rebuilt; emitter-appended) ---
"""Pipeline reference for scband-itlknowledge-graph-41979010351734 (READ-ONLY COPY).

The authoritative reference and input builder live on the scoring server;
editing this copy changes nothing except your own understanding.
"""

import jax, jax.numpy as jnp
import numpy as np

NUM_ENTITIES = 1000000
ENTITY_DIM = 64
BATCH = 16384

def setup_inputs(seed: int = 0) -> dict:
    key = jax.random.key(seed)
    k1, k2 = jax.random.split(key)
    # learned parameter: pretrained entity embedding table (conve checkpoint equivalent)
    entity_table = jax.random.normal(k1, (NUM_ENTITIES, ENTITY_DIM), dtype=jnp.float32) * 0.02
    indices = jax.random.randint(k2, (BATCH,), 0, NUM_ENTITIES)
    return {"entity_table": entity_table, "indices": indices}

def reference(entity_table, indices):
    # Core hot path of ITLKnowledgeGraph: get_embeddings_from_indices on the
    # entity embedding table (embeddings.weight[indices]). Dropout rate is 0
    # (eval-mode navigation graph), so EDropout is identity.
    emb = jnp.take(entity_table, indices, axis=0)
    return emb

if __name__ == "__main__":
    import jax
    _d = setup_inputs()
    print(jax.jit(kernel)(*tuple(_d.values())))

</pallas_src>

<mosaic_0001>
#map = affine_map<(d0, d1) -> (0, 0)>
#map1 = affine_map<(d0, d1) -> (0)>
module attributes {stable_mosaic.version = 14 : i64} {
  func.func @scan_kernel(%arg0: i32, %arg1: i32, %arg2: memref<64x1000000xf32, #tpu.memory_space<hbm>>, %arg3: memref<16384xi32, #tpu.memory_space<hbm>>, %arg4: memref<64x64xf32, #tpu.memory_space<hbm>>, %arg5: memref<16384x64xf32, #tpu.memory_space<hbm>>, %arg6: memref<16384xi32, #tpu.memory_space<vmem>>, %arg7: memref<16512xi32, #tpu.memory_space<vmem>>, %arg8: memref<16512xi32, #tpu.memory_space<vmem>>, %arg9: memref<64x512xf32, #tpu.memory_space<vmem>>, %arg10: memref<64x512xf32, #tpu.memory_space<vmem>>, %arg11: memref<64x64xf32, #tpu.memory_space<vmem>>, %arg12: memref<8x64xf32, #tpu.memory_space<vmem>>, %arg13: memref<!tpu.dma_semaphore, #tpu.memory_space<semaphore_mem>>, %arg14: memref<!tpu.dma_semaphore, #tpu.memory_space<semaphore_mem>>, %arg15: memref<!tpu.dma_semaphore, #tpu.memory_space<semaphore_mem>>) attributes {dimension_semantics = [#tpu.dimension_semantics<core_parallel>, #tpu.dimension_semantics<subcore_parallel>], iteration_bounds = array<i64: 2, 16>, scalar_prefetch = 0 : i64, scratch_operands = 10 : i64, tpu.core_type = #tpu.core_type<sc_vector_subcore>, window_params = [{transform_indices = #map}, {transform_indices = #map1}, {transform_indices = #map}, {transform_indices = #map}]} {
    %mul3A = arith.constant 2 : i32
    %mul3A_0 = arith.muli %arg1, %mul3A : i32
    %add3A = arith.addi %mul3A_0, %arg0 : i32
    %lt3A = arith.constant 4 : i32
    %lt3A_1 = arith.cmpi slt, %add3A, %lt3A : i32
    %jit3A = arith.constant 1 : i32
    %jit3A_2 = arith.constant 0 : i32
    %select_n3A = arith.select %lt3A_1, %jit3A, %jit3A_2 : i32
    %add3A_3 = arith.constant 244 : i32
    %add3A_4 = arith.addi %add3A_3, %select_n3A : i32
    %mul3A_5 = arith.constant 244 : i32
    %mul3A_6 = arith.muli %mul3A_5, %add3A : i32
    %min3A = arith.constant 4 : i32
    %min3A_7 = arith.minsi %add3A, %min3A : i32
    %add3A_8 = arith.addi %mul3A_6, %min3A_7 : i32
    %mul3A_9 = arith.constant 128 : i32
    %mul3A_10 = arith.muli %add3A_8, %mul3A_9 : i32
    %mul3A_11 = arith.constant 128 : i32
    %mul3A_12 = arith.muli %add3A_4, %mul3A_11 : i32
    %eq3A = arith.constant 31 : i32
    %eq3A_13 = arith.cmpi eq, %add3A, %eq3A : i32
    %jit3A_14 = arith.constant 64 : i32
    %jit3A_15 = arith.constant 0 : i32
    %select_n3A_16 = arith.select %eq3A_13, %jit3A_14, %jit3A_15 : i32
    %add3A_17 = arith.addi %mul3A_12, %select_n3A_16 : i32
    %iota3A = tpu.iota {dimensions = array<i32: 0>} : vector<16xi32>
    %broadcast_in_dim3A = arith.constant 0 : i32
    %broadcast_in_dim3A_18 = vector.broadcast %broadcast_in_dim3A : i32 to vector<16xi32>
    %sub3A = arith.constant 4 : i32
    %sub3A_19 = arith.subi %add3A_4, %sub3A : i32
    %min3A_20 = arith.constant 0 : i32
    %min3A_21 = arith.minsi %min3A_20, %sub3A_19 : i32
    %mul3A_22 = arith.constant 128 : i32
    %mul3A_23 = arith.muli %min3A_21, %mul3A_22 : i32
    %add3A_24 = arith.addi %mul3A_10, %mul3A_23 : i32
    %multiple_of3A = tpu.assume_multiple %add3A_24, 128 : i32
    %dma_start3A = arith.constant 0 : i32
    %dma_start3A_25 = tpu.memref_slice %arg2[%dma_start3A, %multiple_of3A] : memref<64x1000000xf32, #tpu.memory_space<hbm>> -> memref<64x512xf32, #tpu.memory_space<hbm>>
    %dma_start3A_26 = arith.constant 0 : i32
    %dma_start3A_27 = tpu.memref_slice %arg2[%dma_start3A_26, %multiple_of3A] : memref<64x1000000xf32, #tpu.memory_space<hbm>> -> memref<64x512xf32, #tpu.memory_space<hbm>>
    tpu.enqueue_dma source(%dma_start3A_27 : memref<64x512xf32, #tpu.memory_space<hbm>>) target(%arg9 : memref<64x512xf32, #tpu.memory_space<vmem>>) target_semaphore(%arg13 : memref<!tpu.dma_semaphore, #tpu.memory_space<semaphore_mem>>)
    %sub3A_28 = arith.constant 4 : i32
    %sub3A_29 = arith.subi %add3A_4, %sub3A_28 : i32
    %min3A_30 = arith.constant 4 : i32
    %min3A_31 = arith.minsi %min3A_30, %sub3A_29 : i32
    %mul3A_32 = arith.constant 128 : i32
    %mul3A_33 = arith.muli %min3A_31, %mul3A_32 : i32
    %add3A_34 = arith.addi %mul3A_10, %mul3A_33 : i32
    %multiple_of3A_35 = tpu.assume_multiple %add3A_34, 128 : i32
    %dma_start3A_36 = arith.constant 0 : i32
    %dma_start3A_37 = tpu.memref_slice %arg2[%dma_start3A_36, %multiple_of3A_35] : memref<64x1000000xf32, #tpu.memory_space<hbm>> -> memref<64x512xf32, #tpu.memory_space<hbm>>
    %dma_start3A_38 = arith.constant 0 : i32
    %dma_start3A_39 = tpu.memref_slice %arg2[%dma_start3A_38, %multiple_of3A_35] : memref<64x1000000xf32, #tpu.memory_space<hbm>> -> memref<64x512xf32, #tpu.memory_space<hbm>>
    tpu.enqueue_dma source(%dma_start3A_39 : memref<64x512xf32, #tpu.memory_space<hbm>>) target(%arg10 : memref<64x512xf32, #tpu.memory_space<vmem>>) target_semaphore(%arg14 : memref<!tpu.dma_semaphore, #tpu.memory_space<semaphore_mem>>)
    "tpu.region"() ({
      %run_scoped3A = tpu.sem_alloc : memref<!tpu.dma_semaphore, #tpu.memory_space<semaphore_mem>>
      tpu.enqueue_dma source(%arg3 : memref<16384xi32, #tpu.memory_space<hbm>>) target(%arg6 : memref<16384xi32, #tpu.memory_space<vmem>>) target_semaphore(%run_scoped3A : memref<!tpu.dma_semaphore, #tpu.memory_space<semaphore_mem>>)
      tpu.wait_dma2 semaphore(%run_scoped3A : memref<!tpu.dma_semaphore, #tpu.memory_space<semaphore_mem>>) src(%arg3 : memref<16384xi32, #tpu.memory_space<hbm>>) dst(%arg6 : memref<16384xi32, #tpu.memory_space<vmem>>)
      tpu.yield
    }) : () -> ()
    "tpu.region"() ({
      %run_scoped3A = tpu.sem_alloc : memref<!tpu.dma_semaphore, #tpu.memory_space<semaphore_mem>>
      tpu.enqueue_dma source(%arg4 : memref<64x64xf32, #tpu.memory_space<hbm>>) target(%arg11 : memref<64x64xf32, #tpu.memory_space<vmem>>) target_semaphore(%run_scoped3A : memref<!tpu.dma_semaphore, #tpu.memory_space<semaphore_mem>>)
      tpu.wait_dma2 semaphore(%run_scoped3A : memref<!tpu.dma_semaphore, #tpu.memory_space<semaphore_mem>>) src(%arg4 : memref<64x64xf32, #tpu.memory_space<hbm>>) dst(%arg11 : memref<64x64xf32, #tpu.memory_space<vmem>>)
      tpu.yield
    }) : () -> ()
    %scan3A = arith.constant 0 : i32
    %scan3A_40 = arith.constant 1024 : i32
    %scan3A_41 = arith.addi %scan3A, %scan3A_40 : i32
    %scan3A_42 = arith.constant 1 : i32
    %scan3A_43 = scf.for %scan3A_225 = %scan3A to %scan3A_41 step %scan3A_42 iter_args(%scan3A_226 = %broadcast_in_dim3A_18) -> (vector<16xi32>)  : i32 {
      %mul3A_227 = arith.constant 16 : i32
      %mul3A_228 = arith.muli %scan3A_225, %mul3A_227 : i32
      %get3A = arith.index_cast %mul3A_228 : i32 to index
      %get3A_229 = tpu.vector_load %arg6[%get3A] {strides = array<i32>} : memref<16384xi32, #tpu.memory_space<vmem>>, vector<16xi32>,
      %sub3A_230 = vector.broadcast %mul3A_10 : i32 to vector<16xi32>
      %sub3A_231 = arith.subi %get3A_229, %sub3A_230 : vector<16xi32>
      %ge3A = arith.constant 0 : i32
      %ge3A_232 = vector.broadcast %ge3A : i32 to vector<16xi32>
      %ge3A_233 = arith.cmpi sge, %sub3A_231, %ge3A_232 : vector<16xi32>
      %lt3A_234 = vector.broadcast %add3A_17 : i32 to vector<16xi32>
      %lt3A_235 = arith.cmpi slt, %sub3A_231, %lt3A_234 : vector<16xi32>
      %and3A = arith.andi %ge3A_233, %lt3A_235 : vector<16xi1>
      %shift_left3A = arith.constant 14 : i32
      %shift_left3A_236 = vector.broadcast %shift_left3A : i32 to vector<16xi32>
      %shift_left3A_237 = arith.shli %sub3A_231, %shift_left3A_236 : vector<16xi32>
      %mul3A_238 = arith.constant 16 : i32
      %mul3A_239 = arith.muli %scan3A_225, %mul3A_238 : i32
      %add3A_240 = vector.broadcast %mul3A_239 : i32 to vector<16xi32>
      %add3A_241 = arith.addi %iota3A, %add3A_240 : vector<16xi32>
      %or3A = arith.ori %shift_left3A_237, %add3A_241 : vector<16xi32>
      %jit3A_242 = arith.constant 1 : i32
      %jit3A_243 = arith.constant 0 : i32
      %broadcast_in_dim3A_244 = vector.broadcast %jit3A_242 : i32 to vector<16xi32>
      %broadcast_in_dim3A_245 = vector.broadcast %jit3A_243 : i32 to vector<16xi32>
      %select_n3A_246 = arith.select %and3A, %broadcast_in_dim3A_244, %broadcast_in_dim3A_245 : vector<16xi1>, vector<16xi32>
      %broadcast_in_dim3A_247 = arith.constant true
      %broadcast_in_dim3A_248 = vector.broadcast %broadcast_in_dim3A_247 : i1 to vector<16xi1>
      %masked_cumsum3A = tpu.scan <sum>, %select_n3A_246 masked %broadcast_in_dim3A_248 : vector<16xi32>, vector<16xi1> -> vector<16xi32>
      %add3A_249 = arith.addi %scan3A_226, %masked_cumsum3A : vector<16xi32>
      %sub3A_250 = arith.constant 1 : i32
      %sub3A_251 = vector.broadcast %sub3A_250 : i32 to vector<16xi32>
      %sub3A_252 = arith.subi %add3A_249, %sub3A_251 : vector<16xi32>
      tpu.vector_store_idx %arg7[%sub3A_252], %or3A masked %and3A : memref<16512xi32, #tpu.memory_space<vmem>>[vector<16xi32>], vector<16xi32>, vector<16xi1>
      %all_reduce_population_count3A = tpu.all_reduce %and3A {dim = 0 : i64, kind = #tpu.reduction_kind<sum>} : vector<16xi1> -> vector<16xi32>
      %add3A_253 = arith.addi %scan3A_226, %all_reduce_population_count3A : vector<16xi32>
      scf.yield %add3A_253 : vector<16xi32>
    }
    %scan3A_44 = arith.constant 1024 : i32
    %slice3A = vector.extract_strided_slice %scan3A_43 {offsets = [0], sizes = [1], strides = [1]} : vector<16xi32> to vector<1xi32>
    %squeeze3A = vector.extract %slice3A[0] : i32 from vector<1xi32>
    %add3A_45 = arith.constant 16 : i32
    %add3A_46 = arith.addi %squeeze3A, %add3A_45 : i32
    %sub3A_47 = arith.constant 1 : i32
    %sub3A_48 = arith.subi %add3A_46, %sub3A_47 : i32
    %shift_right_logical3A = arith.constant 4 : i32
    %shift_right_logical3A_49 = arith.shrui %sub3A_48, %shift_right_logical3A : i32
    %while3A = arith.constant 0 : i32
    %while3A_50 = arith.subi %shift_right_logical3A_49, %while3A : i32
    %while3A_51 = arith.addi %while3A, %while3A_50 : i32
    %while3A_52 = arith.constant 1 : i32
    %while3A_53 = arith.divsi %while3A_50, %while3A_52 : i32
    %while3A_54 = arith.muli %while3A_53, %while3A_52 : i32
    %while3A_55 = arith.addi %while3A, %while3A_54 : i32
    %while3A_56 = arith.constant 1 : i32
    %while3A_57 = scf.for %while3A_225 = %while3A to %while3A_55 step %while3A_56 iter_args(%while3A_226 = %broadcast_in_dim3A_18) -> (vector<16xi32>)  : i32 {
      %mul3A_227 = arith.constant 16 : i32
      %mul3A_228 = arith.muli %while3A_225, %mul3A_227 : i32
      %get3A = arith.index_cast %mul3A_228 : i32 to index
      %get3A_229 = tpu.vector_load %arg7[%get3A] {strides = array<i32>} : memref<16512xi32, #tpu.memory_space<vmem>>, vector<16xi32>,
      %mul3A_230 = arith.constant 16 : i32
      %mul3A_231 = arith.muli %while3A_225, %mul3A_230 : i32
      %add3A_232 = vector.broadcast %mul3A_231 : i32 to vector<16xi32>
      %add3A_233 = arith.addi %iota3A, %add3A_232 : vector<16xi32>
      %lt3A_234 = vector.broadcast %squeeze3A : i32 to vector<16xi32>
      %lt3A_235 = arith.cmpi slt, %add3A_233, %lt3A_234 : vector<16xi32>
      %shift_right_logical3A_236 = arith.constant 23 : i32
      %shift_right_logical3A_237 = vector.broadcast %shift_right_logical3A_236 : i32 to vector<16xi32>
      %shift_right_logical3A_238 = arith.shrui %get3A_229, %shift_right_logical3A_237 : vector<16xi32>
      %and3A = arith.constant 1 : i32
      %and3A_239 = vector.broadcast %and3A : i32 to vector<16xi32>
      %and3A_240 = arith.andi %shift_right_logical3A_238, %and3A_239 : vector<16xi32>
      %eq3A_241 = arith.constant 1 : i32
      %eq3A_242 = vector.broadcast %eq3A_241 : i32 to vector<16xi32>
      %eq3A_243 = arith.cmpi eq, %and3A_240, %eq3A_242 : vector<16xi32>
      %not3A = arith.constant dense<true> : vector<16xi1>
      %not3A_244 = arith.xori %eq3A_243, %not3A : vector<16xi1>
      %and3A_245 = arith.andi %lt3A_235, %not3A_244 : vector<16xi1>
      %all_reduce_population_count3A = tpu.all_reduce %and3A_245 {dim = 0 : i64, kind = #tpu.reduction_kind<sum>} : vector<16xi1> -> vector<16xi32>
      %add3A_246 = arith.addi %while3A_226, %all_reduce_population_count3A : vector<16xi32>
      scf.yield %add3A_246 : vector<16xi32>
    }
    %while3A_58 = arith.constant 1 : i32
    %while3A_59 = scf.for %while3A_225 = %while3A_55 to %while3A_51 step %while3A_58 iter_args(%while3A_226 = %while3A_57) -> (vector<16xi32>)  : i32 {
      %mul3A_227 = arith.constant 16 : i32
      %mul3A_228 = arith.muli %while3A_225, %mul3A_227 : i32
      %get3A = arith.index_cast %mul3A_228 : i32 to index
      %get3A_229 = tpu.vector_load %arg7[%get3A] {strides = array<i32>} : memref<16512xi32, #tpu.memory_space<vmem>>, vector<16xi32>,
      %mul3A_230 = arith.constant 16 : i32
      %mul3A_231 = arith.muli %while3A_225, %mul3A_230 : i32
      %add3A_232 = vector.broadcast %mul3A_231 : i32 to vector<16xi32>
      %add3A_233 = arith.addi %iota3A, %add3A_232 : vector<16xi32>
      %lt3A_234 = vector.broadcast %squeeze3A : i32 to vector<16xi32>
      %lt3A_235 = arith.cmpi slt, %add3A_233, %lt3A_234 : vector<16xi32>
      %shift_right_logical3A_236 = arith.constant 23 : i32
      %shift_right_logical3A_237 = vector.broadcast %shift_right_logical3A_236 : i32 to vector<16xi32>
      %shift_right_logical3A_238 = arith.shrui %get3A_229, %shift_right_logical3A_237 : vector<16xi32>
      %and3A = arith.constant 1 : i32
      %and3A_239 = vector.broadcast %and3A : i32 to vector<16xi32>
      %and3A_240 = arith.andi %shift_right_logical3A_238, %and3A_239 : vector<16xi32>
      %eq3A_241 = arith.constant 1 : i32
      %eq3A_242 = vector.broadcast %eq3A_241 : i32 to vector<16xi32>
      %eq3A_243 = arith.cmpi eq, %and3A_240, %eq3A_242 : vector<16xi32>
      %not3A = arith.constant dense<true> : vector<16xi1>
      %not3A_244 = arith.xori %eq3A_243, %not3A : vector<16xi1>
      %and3A_245 = arith.andi %lt3A_235, %not3A_244 : vector<16xi1>
      %all_reduce_population_count3A = tpu.all_reduce %and3A_245 {dim = 0 : i64, kind = #tpu.reduction_kind<sum>} : vector<16xi1> -> vector<16xi32>
      %add3A_246 = arith.addi %while3A_226, %all_reduce_population_count3A : vector<16xi32>
      scf.yield %add3A_246 : vector<16xi32>
    }
    %while3A_60 = arith.constant 0 : i32
    %while3A_61 = arith.subi %shift_right_logical3A_49, %while3A_60 : i32
    %while3A_62 = arith.addi %while3A_60, %while3A_61 : i32
    %while3A_63 = arith.constant 1 : i32
    %while3A_64 = arith.divsi %while3A_61, %while3A_63 : i32
    %while3A_65 = arith.muli %while3A_64, %while3A_63 : i32
    %while3A_66 = arith.addi %while3A_60, %while3A_65 : i32
    %while3A_67 = arith.constant 1 : i32
    %while3A_68:2 = scf.for %while3A_225 = %while3A_60 to %while3A_66 step %while3A_67 iter_args(%while3A_226 = %broadcast_in_dim3A_18, %while3A_227 = %broadcast_in_dim3A_18) -> (vector<16xi32>, vector<16xi32>)  : i32 {
      %mul3A_228 = arith.constant 16 : i32
      %mul3A_229 = arith.muli %while3A_225, %mul3A_228 : i32
      %get3A = arith.index_cast %mul3A_229 : i32 to index
      %get3A_230 = tpu.vector_load %arg7[%get3A] {strides = array<i32>} : memref<16512xi32, #tpu.memory_space<vmem>>, vector<16xi32>,
      %mul3A_231 = arith.constant 16 : i32
      %mul3A_232 = arith.muli %while3A_225, %mul3A_231 : i32
      %add3A_233 = vector.broadcast %mul3A_232 : i32 to vector<16xi32>
      %add3A_234 = arith.addi %iota3A, %add3A_233 : vector<16xi32>
      %lt3A_235 = vector.broadcast %squeeze3A : i32 to vector<16xi32>
      %lt3A_236 = arith.cmpi slt, %add3A_234, %lt3A_235 : vector<16xi32>
      %shift_right_logical3A_237 = arith.constant 23 : i32
      %shift_right_logical3A_238 = vector.broadcast %shift_right_logical3A_237 : i32 to vector<16xi32>
      %shift_right_logical3A_239 = arith.shrui %get3A_230, %shift_right_logical3A_238 : vector<16xi32>
      %and3A = arith.constant 1 : i32
      %and3A_240 = vector.broadcast %and3A : i32 to vector<16xi32>
      %and3A_241 = arith.andi %shift_right_logical3A_239, %and3A_240 : vector<16xi32>
      %eq3A_242 = arith.constant 1 : i32
      %eq3A_243 = vector.broadcast %eq3A_242 : i32 to vector<16xi32>
      %eq3A_244 = arith.cmpi eq, %and3A_241, %eq3A_243 : vector<16xi32>
      %not3A = arith.constant dense<true> : vector<16xi1>
      %not3A_245 = arith.xori %eq3A_244, %not3A : vector<16xi1>
      %and3A_246 = arith.andi %lt3A_236, %not3A_245 : vector<16xi1>
      %and3A_247 = arith.andi %lt3A_236, %eq3A_244 : vector<16xi1>
      %jit3A_248 = arith.constant 1 : i32
      %jit3A_249 = arith.constant 0 : i32
      %broadcast_in_dim3A_250 = vector.broadcast %jit3A_248 : i32 to vector<16xi32>
      %broadcast_in_dim3A_251 = vector.broadcast %jit3A_249 : i32 to vector<16xi32>
      %select_n3A_252 = arith.select %and3A_246, %broadcast_in_dim3A_250, %broadcast_in_dim3A_251 : vector<16xi1>, vector<16xi32>
      %broadcast_in_dim3A_253 = arith.constant true
      %broadcast_in_dim3A_254 = vector.broadcast %broadcast_in_dim3A_253 : i1 to vector<16xi1>
      %masked_cumsum3A = tpu.scan <sum>, %select_n3A_252 masked %broadcast_in_dim3A_254 : vector<16xi32>, vector<16xi1> -> vector<16xi32>
      %add3A_255 = arith.addi %while3A_226, %masked_cumsum3A : vector<16xi32>
      %sub3A_256 = arith.constant 1 : i32
      %sub3A_257 = vector.broadcast %sub3A_256 : i32 to vector<16xi32>
      %sub3A_258 = arith.subi %add3A_255, %sub3A_257 : vector<16xi32>
      %add3A_259 = arith.addi %while3A_59, %while3A_227 : vector<16xi32>
      %jit3A_260 = arith.constant 1 : i32
      %jit3A_261 = arith.constant 0 : i32
      %broadcast_in_dim3A_262 = vector.broadcast %jit3A_260 : i32 to vector<16xi32>
      %broadcast_in_dim3A_263 = vector.broadcast %jit3A_261 : i32 to vector<16xi32>
      %select_n3A_264 = arith.select %and3A_247, %broadcast_in_dim3A_262, %broadcast_in_dim3A_263 : vector<16xi1>, vector<16xi32>
      %broadcast_in_dim3A_265 = arith.constant true
      %broadcast_in_dim3A_266 = vector.broadcast %broadcast_in_dim3A_265 : i1 to vector<16xi1>
      %masked_cumsum3A_267 = tpu.scan <sum>, %select_n3A_264 masked %broadcast_in_dim3A_266 : vector<16xi32>, vector<16xi1> -> vector<16xi32>
      %add3A_268 = arith.addi %add3A_259, %masked_cumsum3A_267 : vector<16xi32>
      %sub3A_269 = arith.constant 1 : i32
      %sub3A_270 = vector.broadcast %sub3A_269 : i32 to vector<16xi32>
      %sub3A_271 = arith.subi %add3A_268, %sub3A_270 : vector<16xi32>
      tpu.vector_store_idx %arg8[%sub3A_258], %get3A_230 masked %and3A_246 : memref<16512xi32, #tpu.memory_space<vmem>>[vector<16xi32>], vector<16xi32>, vector<16xi1>
      tpu.vector_store_idx %arg8[%sub3A_271], %get3A_230 masked %and3A_247 : memref<16512xi32, #tpu.memory_space<vmem>>[vector<16xi32>], vector<16xi32>, vector<16xi1>
      %all_reduce_population_count3A = tpu.all_reduce %and3A_246 {dim = 0 : i64, kind = #tpu.reduction_kind<sum>} : vector<16xi1> -> vector<16xi32>
      %add3A_272 = arith.addi %while3A_226, %all_reduce_population_count3A : vector<16xi32>
      %all_reduce_population_count3A_273 = tpu.all_reduce %and3A_247 {dim = 0 : i64, kind = #tpu.reduction_kind<sum>} : vector<16xi1> -> vector<16xi32>
      %add3A_274 = arith.addi %while3A_227, %all_reduce_population_count3A_273 : vector<16xi32>
      scf.yield %add3A_272, %add3A_274 : vector<16xi32>, vector<16xi32>
    }
    %while3A_69 = arith.constant 1 : i32
    %while3A_70:2 = scf.for %while3A_225 = %while3A_66 to %while3A_62 step %while3A_69 iter_args(%while3A_226 = %while3A_68#0, %while3A_227 = %while3A_68#1) -> (vector<16xi32>, vector<16xi32>)  : i32 {
      %mul3A_228 = arith.constant 16 : i32
      %mul3A_229 = arith.muli %while3A_225, %mul3A_228 : i32
      %get3A = arith.index_cast %mul3A_229 : i32 to index
      %get3A_230 = tpu.vector_load %arg7[%get3A] {strides = array<i32>} : memref<16512xi32, #tpu.memory_space<vmem>>, vector<16xi32>,
      %mul3A_231 = arith.constant 16 : i32
      %mul3A_232 = arith.muli %while3A_225, %mul3A_231 : i32
      %add3A_233 = vector.broadcast %mul3A_232 : i32 to vector<16xi32>
      %add3A_234 = arith.addi %iota3A, %add3A_233 : vector<16xi32>
      %lt3A_235 = vector.broadcast %squeeze3A : i32 to vector<16xi32>
      %lt3A_236 = arith.cmpi slt, %add3A_234, %lt3A_235 : vector<16xi32>
      %shift_right_logical3A_237 = arith.constant 23 : i32
      %shift_right_logical3A_238 = vector.broadcast %shift_right_logical3A_237 : i32 to vector<16xi32>
      %shift_right_logical3A_239 = arith.shrui %get3A_230, %shift_right_logical3A_238 : vector<16xi32>
      %and3A = arith.constant 1 : i32
      %and3A_240 = vector.broadcast %and3A : i32 to vector<16xi32>
      %and3A_241 = arith.andi %shift_right_logical3A_239, %and3A_240 : vector<16xi32>
      %eq3A_242 = arith.constant 1 : i32
      %eq3A_243 = vector.broadcast %eq3A_242 : i32 to vector<16xi32>
      %eq3A_244 = arith.cmpi eq, %and3A_241, %eq3A_243 : vector<16xi32>
      %not3A = arith.constant dense<true> : vector<16xi1>
      %not3A_245 = arith.xori %eq3A_244, %not3A : vector<16xi1>
      %and3A_246 = arith.andi %lt3A_236, %not3A_245 : vector<16xi1>
      %and3A_247 = arith.andi %lt3A_236, %eq3A_244 : vector<16xi1>
      %jit3A_248 = arith.constant 1 : i32
      %jit3A_249 = arith.constant 0 : i32
      %broadcast_in_dim3A_250 = vector.broadcast %jit3A_248 : i32 to vector<16xi32>
      %broadcast_in_dim3A_251 = vector.broadcast %jit3A_249 : i32 to vector<16xi32>
      %select_n3A_252 = arith.select %and3A_246, %broadcast_in_dim3A_250, %broadcast_in_dim3A_251 : vector<16xi1>, vector<16xi32>
      %broadcast_in_dim3A_253 = arith.constant true
      %broadcast_in_dim3A_254 = vector.broadcast %broadcast_in_dim3A_253 : i1 to vector<16xi1>
      %masked_cumsum3A = tpu.scan <sum>, %select_n3A_252 masked %broadcast_in_dim3A_254 : vector<16xi32>, vector<16xi1> -> vector<16xi32>
      %add3A_255 = arith.addi %while3A_226, %masked_cumsum3A : vector<16xi32>
      %sub3A_256 = arith.constant 1 : i32
      %sub3A_257 = vector.broadcast %sub3A_256 : i32 to vector<16xi32>
      %sub3A_258 = arith.subi %add3A_255, %sub3A_257 : vector<16xi32>
      %add3A_259 = arith.addi %while3A_59, %while3A_227 : vector<16xi32>
      %jit3A_260 = arith.constant 1 : i32
      %jit3A_261 = arith.constant 0 : i32
      %broadcast_in_dim3A_262 = vector.broadcast %jit3A_260 : i32 to vector<16xi32>
      %broadcast_in_dim3A_263 = vector.broadcast %jit3A_261 : i32 to vector<16xi32>
      %select_n3A_264 = arith.select %and3A_247, %broadcast_in_dim3A_262, %broadcast_in_dim3A_263 : vector<16xi1>, vector<16xi32>
      %broadcast_in_dim3A_265 = arith.constant true
      %broadcast_in_dim3A_266 = vector.broadcast %broadcast_in_dim3A_265 : i1 to vector<16xi1>
      %masked_cumsum3A_267 = tpu.scan <sum>, %select_n3A_264 masked %broadcast_in_dim3A_266 : vector<16xi32>, vector<16xi1> -> vector<16xi32>
      %add3A_268 = arith.addi %add3A_259, %masked_cumsum3A_267 : vector<16xi32>
      %sub3A_269 = arith.constant 1 : i32
      %sub3A_270 = vector.broadcast %sub3A_269 : i32 to vector<16xi32>
      %sub3A_271 = arith.subi %add3A_268, %sub3A_270 : vector<16xi32>
      tpu.vector_store_idx %arg8[%sub3A_258], %get3A_230 masked %and3A_246 : memref<16512xi32, #tpu.memory_space<vmem>>[vector<16xi32>], vector<16xi32>, vector<16xi1>
      tpu.vector_store_idx %arg8[%sub3A_271], %get3A_230 masked %and3A_247 : memref<16512xi32, #tpu.memory_space<vmem>>[vector<16xi32>], vector<16xi32>, vector<16xi1>
      %all_reduce_population_count3A = tpu.all_reduce %and3A_246 {dim = 0 : i64, kind = #tpu.reduction_kind<sum>} : vector<16xi1> -> vector<16xi32>
      %add3A_272 = arith.addi %while3A_226, %all_reduce_population_count3A : vector<16xi32>
      %all_reduce_population_count3A_273 = tpu.all_reduce %and3A_247 {dim = 0 : i64, kind = #tpu.reduction_kind<sum>} : vector<16xi1> -> vector<16xi32>
      %add3A_274 = arith.addi %while3A_227, %all_reduce_population_count3A_273 : vector<16xi32>
      scf.yield %add3A_272, %add3A_274 : vector<16xi32>, vector<16xi32>
    }
    %while3A_71 = arith.constant 0 : i32
    %while3A_72 = arith.subi %shift_right_logical3A_49, %while3A_71 : i32
    %while3A_73 = arith.addi %while3A_71, %while3A_72 : i32
    %while3A_74 = arith.constant 1 : i32
    %while3A_75 = arith.divsi %while3A_72, %while3A_74 : i32
    %while3A_76 = arith.muli %while3A_75, %while3A_74 : i32
    %while3A_77 = arith.addi %while3A_71, %while3A_76 : i32
    %while3A_78 = arith.constant 1 : i32
    %while3A_79 = scf.for %while3A_225 = %while3A_71 to %while3A_77 step %while3A_78 iter_args(%while3A_226 = %broadcast_in_dim3A_18) -> (vector<16xi32>)  : i32 {
      %mul3A_227 = arith.constant 16 : i32
      %mul3A_228 = arith.muli %while3A_225, %mul3A_227 : i32
      %get3A = arith.index_cast %mul3A_228 : i32 to index
      %get3A_229 = tpu.vector_load %arg8[%get3A] {strides = array<i32>} : memref<16512xi32, #tpu.memory_space<vmem>>, vector<16xi32>,
      %mul3A_230 = arith.constant 16 : i32
      %mul3A_231 = arith.muli %while3A_225, %mul3A_230 : i32
      %add3A_232 = vector.broadcast %mul3A_231 : i32 to vector<16xi32>
      %add3A_233 = arith.addi %iota3A, %add3A_232 : vector<16xi32>
      %lt3A_234 = vector.broadcast %squeeze3A : i32 to vector<16xi32>
      %lt3A_235 = arith.cmpi slt, %add3A_233, %lt3A_234 : vector<16xi32>
      %shift_right_logical3A_236 = arith.constant 24 : i32
      %shift_right_logical3A_237 = vector.broadcast %shift_right_logical3A_236 : i32 to vector<16xi32>
      %shift_right_logical3A_238 = arith.shrui %get3A_229, %shift_right_logical3A_237 : vector<16xi32>
      %and3A = arith.constant 1 : i32
      %and3A_239 = vector.broadcast %and3A : i32 to vector<16xi32>
      %and3A_240 = arith.andi %shift_right_logical3A_238, %and3A_239 : vector<16xi32>
      %eq3A_241 = arith.constant 1 : i32
      %eq3A_242 = vector.broadcast %eq3A_241 : i32 to vector<16xi32>
      %eq3A_243 = arith.cmpi eq, %and3A_240, %eq3A_242 : vector<16xi32>
      %not3A = arith.constant dense<true> : vector<16xi1>
      %not3A_244 = arith.xori %eq3A_243, %not3A : vector<16xi1>
      %and3A_245 = arith.andi %lt3A_235, %not3A_244 : vector<16xi1>
      %all_reduce_population_count3A = tpu.all_reduce %and3A_245 {dim = 0 : i64, kind = #tpu.reduction_kind<sum>} : vector<16xi1> -> vector<16xi32>
      %add3A_246 = arith.addi %while3A_226, %all_reduce_population_count3A : vector<16xi32>
      scf.yield %add3A_246 : vector<16xi32>
    }
    %while3A_80 = arith.constant 1 : i32
    %while3A_81 = scf.for %while3A_225 = %while3A_77 to %while3A_73 step %while3A_80 iter_args(%while3A_226 = %while3A_79) -> (vector<16xi32>)  : i32 {
      %mul3A_227 = arith.constant 16 : i32
      %mul3A_228 = arith.muli %while3A_225, %mul3A_227 : i32
      %get3A = arith.index_cast %mul3A_228 : i32 to index
      %get3A_229 = tpu.vector_load %arg8[%get3A] {strides = array<i32>} : memref<16512xi32, #tpu.memory_space<vmem>>, vector<16xi32>,
      %mul3A_230 = arith.constant 16 : i32
      %mul3A_231 = arith.muli %while3A_225, %mul3A_230 : i32
      %add3A_232 = vector.broadcast %mul3A_231 : i32 to vector<16xi32>
      %add3A_233 = arith.addi %iota3A, %add3A_232 : vector<16xi32>
      %lt3A_234 = vector.broadcast %squeeze3A : i32 to vector<16xi32>
      %lt3A_235 = arith.cmpi slt, %add3A_233, %lt3A_234 : vector<16xi32>
      %shift_right_logical3A_236 = arith.constant 24 : i32
      %shift_right_logical3A_237 = vector.broadcast %shift_right_logical3A_236 : i32 to vector<16xi32>
      %shift_right_logical3A_238 = arith.shrui %get3A_229, %shift_right_logical3A_237 : vector<16xi32>
      %and3A = arith.constant 1 : i32
      %and3A_239 = vector.broadcast %and3A : i32 to vector<16xi32>
      %and3A_240 = arith.andi %shift_right_logical3A_238, %and3A_239 : vector<16xi32>
      %eq3A_241 = arith.constant 1 : i32
      %eq3A_242 = vector.broadcast %eq3A_241 : i32 to vector<16xi32>
      %eq3A_243 = arith.cmpi eq, %and3A_240, %eq3A_242 : vector<16xi32>
      %not3A = arith.constant dense<true> : vector<16xi1>
      %not3A_244 = arith.xori %eq3A_243, %not3A : vector<16xi1>
      %and3A_245 = arith.andi %lt3A_235, %not3A_244 : vector<16xi1>
      %all_reduce_population_count3A = tpu.all_reduce %and3A_245 {dim = 0 : i64, kind = #tpu.reduction_kind<sum>} : vector<16xi1> -> vector<16xi32>
      %add3A_246 = arith.addi %while3A_226, %all_reduce_population_count3A : vector<16xi32>
      scf.yield %add3A_246 : vector<16xi32>
    }
    %while3A_82 = arith.constant 0 : i32
    %while3A_83 = arith.subi %shift_right_logical3A_49, %while3A_82 : i32
    %while3A_84 = arith.addi %while3A_82, %while3A_83 : i32
    %while3A_85 = arith.constant 1 : i32
    %while3A_86 = arith.divsi %while3A_83, %while3A_85 : i32
    %while3A_87 = arith.muli %while3A_86, %while3A_85 : i32
    %while3A_88 = arith.addi %while3A_82, %while3A_87 : i32
    %while3A_89 = arith.constant 1 : i32
    %while3A_90:2 = scf.for %while3A_225 = %while3A_82 to %while3A_88 step %while3A_89 iter_args(%while3A_226 = %broadcast_in_dim3A_18, %while3A_227 = %broadcast_in_dim3A_18) -> (vector<16xi32>, vector<16xi32>)  : i32 {
      %mul3A_228 = arith.constant 16 : i32
      %mul3A_229 = arith.muli %while3A_225, %mul3A_228 : i32
      %get3A = arith.index_cast %mul3A_229 : i32 to index
      %get3A_230 = tpu.vector_load %arg8[%get3A] {strides = array<i32>} : memref<16512xi32, #tpu.memory_space<vmem>>, vector<16xi32>,
      %mul3A_231 = arith.constant 16 : i32
      %mul3A_232 = arith.muli %while3A_225, %mul3A_231 : i32
      %add3A_233 = vector.broadcast %mul3A_232 : i32 to vector<16xi32>
      %add3A_234 = arith.addi %iota3A, %add3A_233 : vector<16xi32>
      %lt3A_235 = vector.broadcast %squeeze3A : i32 to vector<16xi32>
      %lt3A_236 = arith.cmpi slt, %add3A_234, %lt3A_235 : vector<16xi32>
      %shift_right_logical3A_237 = arith.constant 24 : i32
      %shift_right_logical3A_238 = vector.broadcast %shift_right_logical3A_237 : i32 to vector<16xi32>
      %shift_right_logical3A_239 = arith.shrui %get3A_230, %shift_right_logical3A_238 : vector<16xi32>
      %and3A = arith.constant 1 : i32
      %and3A_240 = vector.broadcast %and3A : i32 to vector<16xi32>
      %and3A_241 = arith.andi %shift_right_logical3A_239, %and3A_240 : vector<16xi32>
      %eq3A_242 = arith.constant 1 : i32
      %eq3A_243 = vector.broadcast %eq3A_242 : i32 to vector<16xi32>
      %eq3A_244 = arith.cmpi eq, %and3A_241, %eq3A_243 : vector<16xi32>
      %not3A = arith.constant dense<true> : vector<16xi1>
      %not3A_245 = arith.xori %eq3A_244, %not3A : vector<16xi1>
      %and3A_246 = arith.andi %lt3A_236, %not3A_245 : vector<16xi1>
      %and3A_247 = arith.andi %lt3A_236, %eq3A_244 : vector<16xi1>
      %jit3A_248 = arith.constant 1 : i32
      %jit3A_249 = arith.constant 0 : i32
      %broadcast_in_dim3A_250 = vector.broadcast %jit3A_248 : i32 to vector<16xi32>
      %broadcast_in_dim3A_251 = vector.broadcast %jit3A_249 : i32 to vector<16xi32>
      %select_n3A_252 = arith.select %and3A_246, %broadcast_in_dim3A_250, %broadcast_in_dim3A_251 : vector<16xi1>, vector<16xi32>
      %broadcast_in_dim3A_253 = arith.constant true
      %broadcast_in_dim3A_254 = vector.broadcast %broadcast_in_dim3A_253 : i1 to vector<16xi1>
      %masked_cumsum3A = tpu.scan <sum>, %select_n3A_252 masked %broadcast_in_dim3A_254 : vector<16xi32>, vector<16xi1> -> vector<16xi32>
      %add3A_255 = arith.addi %while3A_226, %masked_cumsum3A : vector<16xi32>
      %sub3A_256 = arith.constant 1 : i32
      %sub3A_257 = vector.broadcast %sub3A_256 : i32 to vector<16xi32>
      %sub3A_258 = arith.subi %add3A_255, %sub3A_257 : vector<16xi32>
      %add3A_259 = arith.addi %while3A_81, %while3A_227 : vector<16xi32>
      %jit3A_260 = arith.constant 1 : i32
      %jit3A_261 = arith.constant 0 : i32
      %broadcast_in_dim3A_262 = vector.broadcast %jit3A_260 : i32 to vector<16xi32>
      %broadcast_in_dim3A_263 = vector.broadcast %jit3A_261 : i32 to vector<16xi32>
      %select_n3A_264 = arith.select %and3A_247, %broadcast_in_dim3A_262, %broadcast_in_dim3A_263 : vector<16xi1>, vector<16xi32>
      %broadcast_in_dim3A_265 = arith.constant true
      %broadcast_in_dim3A_266 = vector.broadcast %broadcast_in_dim3A_265 : i1 to vector<16xi1>
      %masked_cumsum3A_267 = tpu.scan <sum>, %select_n3A_264 masked %broadcast_in_dim3A_266 : vector<16xi32>, vector<16xi1> -> vector<16xi32>
      %add3A_268 = arith.addi %add3A_259, %masked_cumsum3A_267 : vector<16xi32>
      %sub3A_269 = arith.constant 1 : i32
      %sub3A_270 = vector.broadcast %sub3A_269 : i32 to vector<16xi32>
      %sub3A_271 = arith.subi %add3A_268, %sub3A_270 : vector<16xi32>
      tpu.vector_store_idx %arg7[%sub3A_258], %get3A_230 masked %and3A_246 : memref<16512xi32, #tpu.memory_space<vmem>>[vector<16xi32>], vector<16xi32>, vector<16xi1>
      tpu.vector_store_idx %arg7[%sub3A_271], %get3A_230 masked %and3A_247 : memref<16512xi32, #tpu.memory_space<vmem>>[vector<16xi32>], vector<16xi32>, vector<16xi1>
      %all_reduce_population_count3A = tpu.all_reduce %and3A_246 {dim = 0 : i64, kind = #tpu.reduction_kind<sum>} : vector<16xi1> -> vector<16xi32>
      %add3A_272 = arith.addi %while3A_226, %all_reduce_population_count3A : vector<16xi32>
      %all_reduce_population_count3A_273 = tpu.all_reduce %and3A_247 {dim = 0 : i64, kind = #tpu.reduction_kind<sum>} : vector<16xi1> -> vector<16xi32>
      %add3A_274 = arith.addi %while3A_227, %all_reduce_population_count3A_273 : vector<16xi32>
      scf.yield %add3A_272, %add3A_274 : vector<16xi32>, vector<16xi32>
    }
    %while3A_91 = arith.constant 1 : i32
    %while3A_92:2 = scf.for %while3A_225 = %while3A_88 to %while3A_84 step %while3A_91 iter_args(%while3A_226 = %while3A_90#0, %while3A_227 = %while3A_90#1) -> (vector<16xi32>, vector<16xi32>)  : i32 {
      %mul3A_228 = arith.constant 16 : i32
      %mul3A_229 = arith.muli %while3A_225, %mul3A_228 : i32
      %get3A = arith.index_cast %mul3A_229 : i32 to index
      %get3A_230 = tpu.vector_load %arg8[%get3A] {strides = array<i32>} : memref<16512xi32, #tpu.memory_space<vmem>>, vector<16xi32>,
      %mul3A_231 = arith.constant 16 : i32
      %mul3A_232 = arith.muli %while3A_225, %mul3A_231 : i32
      %add3A_233 = vector.broadcast %mul3A_232 : i32 to vector<16xi32>
      %add3A_234 = arith.addi %iota3A, %add3A_233 : vector<16xi32>
      %lt3A_235 = vector.broadcast %squeeze3A : i32 to vector<16xi32>
      %lt3A_236 = arith.cmpi slt, %add3A_234, %lt3A_235 : vector<16xi32>
      %shift_right_logical3A_237 = arith.constant 24 : i32
      %shift_right_logical3A_238 = vector.broadcast %shift_right_logical3A_237 : i32 to vector<16xi32>
      %shift_right_logical3A_239 = arith.shrui %get3A_230, %shift_right_logical3A_238 : vector<16xi32>
      %and3A = arith.constant 1 : i32
      %and3A_240 = vector.broadcast %and3A : i32 to vector<16xi32>
      %and3A_241 = arith.andi %shift_right_logical3A_239, %and3A_240 : vector<16xi32>
      %eq3A_242 = arith.constant 1 : i32
      %eq3A_243 = vector.broadcast %eq3A_242 : i32 to vector<16xi32>
      %eq3A_244 = arith.cmpi eq, %and3A_241, %eq3A_243 : vector<16xi32>
      %not3A = arith.constant dense<true> : vector<16xi1>
      %not3A_245 = arith.xori %eq3A_244, %not3A : vector<16xi1>
      %and3A_246 = arith.andi %lt3A_236, %not3A_245 : vector<16xi1>
      %and3A_247 = arith.andi %lt3A_236, %eq3A_244 : vector<16xi1>
      %jit3A_248 = arith.constant 1 : i32
      %jit3A_249 = arith.constant 0 : i32
      %broadcast_in_dim3A_250 = vector.broadcast %jit3A_248 : i32 to vector<16xi32>
      %broadcast_in_dim3A_251 = vector.broadcast %jit3A_249 : i32 to vector<16xi32>
      %select_n3A_252 = arith.select %and3A_246, %broadcast_in_dim3A_250, %broadcast_in_dim3A_251 : vector<16xi1>, vector<16xi32>
      %broadcast_in_dim3A_253 = arith.constant true
      %broadcast_in_dim3A_254 = vector.broadcast %broadcast_in_dim3A_253 : i1 to vector<16xi1>
      %masked_cumsum3A = tpu.scan <sum>, %select_n3A_252 masked %broadcast_in_dim3A_254 : vector<16xi32>, vector<16xi1> -> vector<16xi32>
      %add3A_255 = arith.addi %while3A_226, %masked_cumsum3A : vector<16xi32>
      %sub3A_256 = arith.constant 1 : i32
      %sub3A_257 = vector.broadcast %sub3A_256 : i32 to vector<16xi32>
      %sub3A_258 = arith.subi %add3A_255, %sub3A_257 : vector<16xi32>
      %add3A_259 = arith.addi %while3A_81, %while3A_227 : vector<16xi32>
      %jit3A_260 = arith.constant 1 : i32
      %jit3A_261 = arith.constant 0 : i32
      %broadcast_in_dim3A_262 = vector.broadcast %jit3A_260 : i32 to vector<16xi32>
      %broadcast_in_dim3A_263 = vector.broadcast %jit3A_261 : i32 to vector<16xi32>
      %select_n3A_264 = arith.select %and3A_247, %broadcast_in_dim3A_262, %broadcast_in_dim3A_263 : vector<16xi1>, vector<16xi32>
      %broadcast_in_dim3A_265 = arith.constant true
      %broadcast_in_dim3A_266 = vector.broadcast %broadcast_in_dim3A_265 : i1 to vector<16xi1>
      %masked_cumsum3A_267 = tpu.scan <sum>, %select_n3A_264 masked %broadcast_in_dim3A_266 : vector<16xi32>, vector<16xi1> -> vector<16xi32>
      %add3A_268 = arith.addi %add3A_259, %masked_cumsum3A_267 : vector<16xi32>
      %sub3A_269 = arith.constant 1 : i32
      %sub3A_270 = vector.broadcast %sub3A_269 : i32 to vector<16xi32>
      %sub3A_271 = arith.subi %add3A_268, %sub3A_270 : vector<16xi32>
      tpu.vector_store_idx %arg7[%sub3A_258], %get3A_230 masked %and3A_246 : memref<16512xi32, #tpu.memory_space<vmem>>[vector<16xi32>], vector<16xi32>, vector<16xi1>
      tpu.vector_store_idx %arg7[%sub3A_271], %get3A_230 masked %and3A_247 : memref<16512xi32, #tpu.memory_space<vmem>>[vector<16xi32>], vector<16xi32>, vector<16xi1>
      %all_reduce_population_count3A = tpu.all_reduce %and3A_246 {dim = 0 : i64, kind = #tpu.reduction_kind<sum>} : vector<16xi1> -> vector<16xi32>
      %add3A_272 = arith.addi %while3A_226, %all_reduce_population_count3A : vector<16xi32>
      %all_reduce_population_count3A_273 = tpu.all_reduce %and3A_247 {dim = 0 : i64, kind = #tpu.reduction_kind<sum>} : vector<16xi1> -> vector<16xi32>
      %add3A_274 = arith.addi %while3A_227, %all_reduce_population_count3A_273 : vector<16xi32>
      scf.yield %add3A_272, %add3A_274 : vector<16xi32>, vector<16xi32>
    }
    %while3A_93 = arith.constant 0 : i32
    %while3A_94 = arith.subi %shift_right_logical3A_49, %while3A_93 : i32
    %while3A_95 = arith.addi %while3A_93, %while3A_94 : i32
    %while3A_96 = arith.constant 1 : i32
    %while3A_97 = arith.divsi %while3A_94, %while3A_96 : i32
    %while3A_98 = arith.muli %while3A_97, %while3A_96 : i32
    %while3A_99 = arith.addi %while3A_93, %while3A_98 : i32
    %while3A_100 = arith.constant 1 : i32
    %while3A_101 = scf.for %while3A_225 = %while3A_93 to %while3A_99 step %while3A_100 iter_args(%while3A_226 = %broadcast_in_dim3A_18) -> (vector<16xi32>)  : i32 {
      %mul3A_227 = arith.constant 16 : i32
      %mul3A_228 = arith.muli %while3A_225, %mul3A_227 : i32
      %get3A = arith.index_cast %mul3A_228 : i32 to index
      %get3A_229 = tpu.vector_load %arg7[%get3A] {strides = array<i32>} : memref<16512xi32, #tpu.memory_space<vmem>>, vector<16xi32>,
      %mul3A_230 = arith.constant 16 : i32
      %mul3A_231 = arith.muli %while3A_225, %mul3A_230 : i32
      %add3A_232 = vector.broadcast %mul3A_231 : i32 to vector<16xi32>
      %add3A_233 = arith.addi %iota3A, %add3A_232 : vector<16xi32>
      %lt3A_234 = vector.broadcast %squeeze3A : i32 to vector<16xi32>
      %lt3A_235 = arith.cmpi slt, %add3A_233, %lt3A_234 : vector<16xi32>
      %shift_right_logical3A_236 = arith.constant 25 : i32
      %shift_right_logical3A_237 = vector.broadcast %shift_right_logical3A_236 : i32 to vector<16xi32>
      %shift_right_logical3A_238 = arith.shrui %get3A_229, %shift_right_logical3A_237 : vector<16xi32>
      %and3A = arith.constant 1 : i32
      %and3A_239 = vector.broadcast %and3A : i32 to vector<16xi32>
      %and3A_240 = arith.andi %shift_right_logical3A_238, %and3A_239 : vector<16xi32>
      %eq3A_241 = arith.constant 1 : i32
      %eq3A_242 = vector.broadcast %eq3A_241 : i32 to vector<16xi32>
      %eq3A_243 = arith.cmpi eq, %and3A_240, %eq3A_242 : vector<16xi32>
      %not3A = arith.constant dense<true> : vector<16xi1>
      %not3A_244 = arith.xori %eq3A_243, %not3A : vector<16xi1>
      %and3A_245 = arith.andi %lt3A_235, %not3A_244 : vector<16xi1>
      %all_reduce_population_count3A = tpu.all_reduce %and3A_245 {dim = 0 : i64, kind = #tpu.reduction_kind<sum>} : vector<16xi1> -> vector<16xi32>
      %add3A_246 = arith.addi %while3A_226, %all_reduce_population_count3A : vector<16xi32>
      scf.yield %add3A_246 : vector<16xi32>
    }
    %while3A_102 = arith.constant 1 : i32
    %while3A_103 = scf.for %while3A_225 = %while3A_99 to %while3A_95 step %while3A_102 iter_args(%while3A_226 = %while3A_101) -> (vector<16xi32>)  : i32 {
      %mul3A_227 = arith.constant 16 : i32
      %mul3A_228 = arith.muli %while3A_225, %mul3A_227 : i32
      %get3A = arith.index_cast %mul3A_228 : i32 to index
      %get3A_229 = tpu.vector_load %arg7[%get3A] {strides = array<i32>} : memref<16512xi32, #tpu.memory_space<vmem>>, vector<16xi32>,
      %mul3A_230 = arith.constant 16 : i32
      %mul3A_231 = arith.muli %while3A_225, %mul3A_230 : i32
      %add3A_232 = vector.broadcast %mul3A_231 : i32 to vector<16xi32>
      %add3A_233 = arith.addi %iota3A, %add3A_232 : vector<16xi32>
      %lt3A_234 = vector.broadcast %squeeze3A : i32 to vector<16xi32>
      %lt3A_235 = arith.cmpi slt, %add3A_233, %lt3A_234 : vector<16xi32>
      %shift_right_logical3A_236 = arith.constant 25 : i32
      %shift_right_logical3A_237 = vector.broadcast %shift_right_logical3A_236 : i32 to vector<16xi32>
      %shift_right_logical3A_238 = arith.shrui %get3A_229, %shift_right_logical3A_237 : vector<16xi32>
      %and3A = arith.constant 1 : i32
      %and3A_239 = vector.broadcast %and3A : i32 to vector<16xi32>
      %and3A_240 = arith.andi %shift_right_logical3A_238, %and3A_239 : vector<16xi32>
      %eq3A_241 = arith.constant 1 : i32
      %eq3A_242 = vector.broadcast %eq3A_241 : i32 to vector<16xi32>
      %eq3A_243 = arith.cmpi eq, %and3A_240, %eq3A_242 : vector<16xi32>
      %not3A = arith.constant dense<true> : vector<16xi1>
      %not3A_244 = arith.xori %eq3A_243, %not3A : vector<16xi1>
      %and3A_245 = arith.andi %lt3A_235, %not3A_244 : vector<16xi1>
      %all_reduce_population_count3A = tpu.all_reduce %and3A_245 {dim = 0 : i64, kind = #tpu.reduction_kind<sum>} : vector<16xi1> -> vector<16xi32>
      %add3A_246 = arith.addi %while3A_226, %all_reduce_population_count3A : vector<16xi32>
      scf.yield %add3A_246 : vector<16xi32>
    }
    %while3A_104 = arith.constant 0 : i32
    %while3A_105 = arith.subi %shift_right_logical3A_49, %while3A_104 : i32
    %while3A_106 = arith.addi %while3A_104, %while3A_105 : i32
    %while3A_107 = arith.constant 1 : i32
    %while3A_108 = arith.divsi %while3A_105, %while3A_107 : i32
    %while3A_109 = arith.muli %while3A_108, %while3A_107 : i32
    %while3A_110 = arith.addi %while3A_104, %while3A_109 : i32
    %while3A_111 = arith.constant 1 : i32
    %while3A_112:2 = scf.for %while3A_225 = %while3A_104 to %while3A_110 step %while3A_111 iter_args(%while3A_226 = %broadcast_in_dim3A_18, %while3A_227 = %broadcast_in_dim3A_18) -> (vector<16xi32>, vector<16xi32>)  : i32 {
      %mul3A_228 = arith.constant 16 : i32
      %mul3A_229 = arith.muli %while3A_225, %mul3A_228 : i32
      %get3A = arith.index_cast %mul3A_229 : i32 to index
      %get3A_230 = tpu.vector_load %arg7[%get3A] {strides = array<i32>} : memref<16512xi32, #tpu.memory_space<vmem>>, vector<16xi32>,
      %mul3A_231 = arith.constant 16 : i32
      %mul3A_232 = arith.muli %while3A_225, %mul3A_231 : i32
      %add3A_233 = vector.broadcast %mul3A_232 : i32 to vector<16xi32>
      %add3A_234 = arith.addi %iota3A, %add3A_233 : vector<16xi32>
      %lt3A_235 = vector.broadcast %squeeze3A : i32 to vector<16xi32>
      %lt3A_236 = arith.cmpi slt, %add3A_234, %lt3A_235 : vector<16xi32>
      %shift_right_logical3A_237 = arith.constant 25 : i32
      %shift_right_logical3A_238 = vector.broadcast %shift_right_logical3A_237 : i32 to vector<16xi32>
      %shift_right_logical3A_239 = arith.shrui %get3A_230, %shift_right_logical3A_238 : vector<16xi32>
      %and3A = arith.constant 1 : i32
      %and3A_240 = vector.broadcast %and3A : i32 to vector<16xi32>
      %and3A_241 = arith.andi %shift_right_logical3A_239, %and3A_240 : vector<16xi32>
      %eq3A_242 = arith.constant 1 : i32
      %eq3A_243 = vector.broadcast %eq3A_242 : i32 to vector<16xi32>
      %eq3A_244 = arith.cmpi eq, %and3A_241, %eq3A_243 : vector<16xi32>
      %not3A = arith.constant dense<true> : vector<16xi1>
      %not3A_245 = arith.xori %eq3A_244, %not3A : vector<16xi1>
      %and3A_246 = arith.andi %lt3A_236, %not3A_245 : vector<16xi1>
      %and3A_247 = arith.andi %lt3A_236, %eq3A_244 : vector<16xi1>
      %jit3A_248 = arith.constant 1 : i32
      %jit3A_249 = arith.constant 0 : i32
      %broadcast_in_dim3A_250 = vector.broadcast %jit3A_248 : i32 to vector<16xi32>
      %broadcast_in_dim3A_251 = vector.broadcast %jit3A_249 : i32 to vector<16xi32>
      %select_n3A_252 = arith.select %and3A_246, %broadcast_in_dim3A_250, %broadcast_in_dim3A_251 : vector<16xi1>, vector<16xi32>
      %broadcast_in_dim3A_253 = arith.constant true
      %broadcast_in_dim3A_254 = vector.broadcast %broadcast_in_dim3A_253 : i1 to vector<16xi1>
      %masked_cumsum3A = tpu.scan <sum>, %select_n3A_252 masked %broadcast_in_dim3A_254 : vector<16xi32>, vector<16xi1> -> vector<16xi32>
      %add3A_255 = arith.addi %while3A_226, %masked_cumsum3A : vector<16xi32>
      %sub3A_256 = arith.constant 1 : i32
      %sub3A_257 = vector.broadcast %sub3A_256 : i32 to vector<16xi32>
      %sub3A_258 = arith.subi %add3A_255, %sub3A_257 : vector<16xi32>
      %add3A_259 = arith.addi %while3A_103, %while3A_227 : vector<16xi32>
      %jit3A_260 = arith.constant 1 : i32
      %jit3A_261 = arith.constant 0 : i32
      %broadcast_in_dim3A_262 = vector.broadcast %jit3A_260 : i32 to vector<16xi32>
      %broadcast_in_dim3A_263 = vector.broadcast %jit3A_261 : i32 to vector<16xi32>
      %select_n3A_264 = arith.select %and3A_247, %broadcast_in_dim3A_262, %broadcast_in_dim3A_263 : vector<16xi1>, vector<16xi32>
      %broadcast_in_dim3A_265 = arith.constant true
      %broadcast_in_dim3A_266 = vector.broadcast %broadcast_in_dim3A_265 : i1 to vector<16xi1>
      %masked_cumsum3A_267 = tpu.scan <sum>, %select_n3A_264 masked %broadcast_in_dim3A_266 : vector<16xi32>, vector<16xi1> -> vector<16xi32>
      %add3A_268 = arith.addi %add3A_259, %masked_cumsum3A_267 : vector<16xi32>
      %sub3A_269 = arith.constant 1 : i32
      %sub3A_270 = vector.broadcast %sub3A_269 : i32 to vector<16xi32>
      %sub3A_271 = arith.subi %add3A_268, %sub3A_270 : vector<16xi32>
      tpu.vector_store_idx %arg8[%sub3A_258], %get3A_230 masked %and3A_246 : memref<16512xi32, #tpu.memory_space<vmem>>[vector<16xi32>], vector<16xi32>, vector<16xi1>
      tpu.vector_store_idx %arg8[%sub3A_271], %get3A_230 masked %and3A_247 : memref<16512xi32, #tpu.memory_space<vmem>>[vector<16xi32>], vector<16xi32>, vector<16xi1>
      %all_reduce_population_count3A = tpu.all_reduce %and3A_246 {dim = 0 : i64, kind = #tpu.reduction_kind<sum>} : vector<16xi1> -> vector<16xi32>
      %add3A_272 = arith.addi %while3A_226, %all_reduce_population_count3A : vector<16xi32>
      %all_reduce_population_count3A_273 = tpu.all_reduce %and3A_247 {dim = 0 : i64, kind = #tpu.reduction_kind<sum>} : vector<16xi1> -> vector<16xi32>
      %add3A_274 = arith.addi %while3A_227, %all_reduce_population_count3A_273 : vector<16xi32>
      scf.yield %add3A_272, %add3A_274 : vector<16xi32>, vector<16xi32>
    }
    %while3A_113 = arith.constant 1 : i32
    %while3A_114:2 = scf.for %while3A_225 = %while3A_110 to %while3A_106 step %while3A_113 iter_args(%while3A_226 = %while3A_112#0, %while3A_227 = %while3A_112#1) -> (vector<16xi32>, vector<16xi32>)  : i32 {
      %mul3A_228 = arith.constant 16 : i32
      %mul3A_229 = arith.muli %while3A_225, %mul3A_228 : i32
      %get3A = arith.index_cast %mul3A_229 : i32 to index
      %get3A_230 = tpu.vector_load %arg7[%get3A] {strides = array<i32>} : memref<16512xi32, #tpu.memory_space<vmem>>, vector<16xi32>,
      %mul3A_231 = arith.constant 16 : i32
      %mul3A_232 = arith.muli %while3A_225, %mul3A_231 : i32
      %add3A_233 = vector.broadcast %mul3A_232 : i32 to vector<16xi32>
      %add3A_234 = arith.addi %iota3A, %add3A_233 : vector<16xi32>
      %lt3A_235 = vector.broadcast %squeeze3A : i32 to vector<16xi32>
      %lt3A_236 = arith.cmpi slt, %add3A_234, %lt3A_235 : vector<16xi32>
      %shift_right_logical3A_237 = arith.constant 25 : i32
      %shift_right_logical3A_238 = vector.broadcast %shift_right_logical3A_237 : i32 to vector<16xi32>
      %shift_right_logical3A_239 = arith.shrui %get3A_230, %shift_right_logical3A_238 : vector<16xi32>
      %and3A = arith.constant 1 : i32
      %and3A_240 = vector.broadcast %and3A : i32 to vector<16xi32>
      %and3A_241 = arith.andi %shift_right_logical3A_239, %and3A_240 : vector<16xi32>
      %eq3A_242 = arith.constant 1 : i32
      %eq3A_243 = vector.broadcast %eq3A_242 : i32 to vector<16xi32>
      %eq3A_244 = arith.cmpi eq, %and3A_241, %eq3A_243 : vector<16xi32>
      %not3A = arith.constant dense<true> : vector<16xi1>
      %not3A_245 = arith.xori %eq3A_244, %not3A : vector<16xi1>
      %and3A_246 = arith.andi %lt3A_236, %not3A_245 : vector<16xi1>
      %and3A_247 = arith.andi %lt3A_236, %eq3A_244 : vector<16xi1>
      %jit3A_248 = arith.constant 1 : i32
      %jit3A_249 = arith.constant 0 : i32
      %broadcast_in_dim3A_250 = vector.broadcast %jit3A_248 : i32 to vector<16xi32>
      %broadcast_in_dim3A_251 = vector.broadcast %jit3A_249 : i32 to vector<16xi32>
      %select_n3A_252 = arith.select %and3A_246, %broadcast_in_dim3A_250, %broadcast_in_dim3A_251 : vector<16xi1>, vector<16xi32>
      %broadcast_in_dim3A_253 = arith.constant true
      %broadcast_in_dim3A_254 = vector.broadcast %broadcast_in_dim3A_253 : i1 to vector<16xi1>
      %masked_cumsum3A = tpu.scan <sum>, %select_n3A_252 masked %broadcast_in_dim3A_254 : vector<16xi32>, vector<16xi1> -> vector<16xi32>
      %add3A_255 = arith.addi %while3A_226, %masked_cumsum3A : vector<16xi32>
      %sub3A_256 = arith.constant 1 : i32
      %sub3A_257 = vector.broadcast %sub3A_256 : i32 to vector<16xi32>
      %sub3A_258 = arith.subi %add3A_255, %sub3A_257 : vector<16xi32>
      %add3A_259 = arith.addi %while3A_103, %while3A_227 : vector<16xi32>
      %jit3A_260 = arith.constant 1 : i32
      %jit3A_261 = arith.constant 0 : i32
      %broadcast_in_dim3A_262 = vector.broadcast %jit3A_260 : i32 to vector<16xi32>
      %broadcast_in_dim3A_263 = vector.broadcast %jit3A_261 : i32 to vector<16xi32>
      %select_n3A_264 = arith.select %and3A_247, %broadcast_in_dim3A_262, %broadcast_in_dim3A_263 : vector<16xi1>, vector<16xi32>
      %broadcast_in_dim3A_265 = arith.constant true
      %broadcast_in_dim3A_266 = vector.broadcast %broadcast_in_dim3A_265 : i1 to vector<16xi1>
      %masked_cumsum3A_267 = tpu.scan <sum>, %select_n3A_264 masked %broadcast_in_dim3A_266 : vector<16xi32>, vector<16xi1> -> vector<16xi32>
      %add3A_268 = arith.addi %add3A_259, %masked_cumsum3A_267 : vector<16xi32>
      %sub3A_269 = arith.constant 1 : i32
      %sub3A_270 = vector.broadcast %sub3A_269 : i32 to vector<16xi32>
      %sub3A_271 = arith.subi %add3A_268, %sub3A_270 : vector<16xi32>
      tpu.vector_store_idx %arg8[%sub3A_258], %get3A_230 masked %and3A_246 : memref<16512xi32, #tpu.memory_space<vmem>>[vector<16xi32>], vector<16xi32>, vector<16xi1>
      tpu.vector_store_idx %arg8[%sub3A_271], %get3A_230 masked %and3A_247 : memref<16512xi32, #tpu.memory_space<vmem>>[vector<16xi32>], vector<16xi32>, vector<16xi1>
      %all_reduce_population_count3A = tpu.all_reduce %and3A_246 {dim = 0 : i64, kind = #tpu.reduction_kind<sum>} : vector<16xi1> -> vector<16xi32>
      %add3A_272 = arith.addi %while3A_226, %all_reduce_population_count3A : vector<16xi32>
      %all_reduce_population_count3A_273 = tpu.all_reduce %and3A_247 {dim = 0 : i64, kind = #tpu.reduction_kind<sum>} : vector<16xi1> -> vector<16xi32>
      %add3A_274 = arith.addi %while3A_227, %all_reduce_population_count3A_273 : vector<16xi32>
      scf.yield %add3A_272, %add3A_274 : vector<16xi32>, vector<16xi32>
    }
    %while3A_115 = arith.constant 0 : i32
    %while3A_116 = arith.subi %shift_right_logical3A_49, %while3A_115 : i32
    %while3A_117 = arith.addi %while3A_115, %while3A_116 : i32
    %while3A_118 = arith.constant 1 : i32
    %while3A_119 = arith.divsi %while3A_116, %while3A_118 : i32
    %while3A_120 = arith.muli %while3A_119, %while3A_118 : i32
    %while3A_121 = arith.addi %while3A_115, %while3A_120 : i32
    %while3A_122 = arith.constant 1 : i32
    %while3A_123 = scf.for %while3A_225 = %while3A_115 to %while3A_121 step %while3A_122 iter_args(%while3A_226 = %broadcast_in_dim3A_18) -> (vector<16xi32>)  : i32 {
      %mul3A_227 = arith.constant 16 : i32
      %mul3A_228 = arith.muli %while3A_225, %mul3A_227 : i32
      %get3A = arith.index_cast %mul3A_228 : i32 to index
      %get3A_229 = tpu.vector_load %arg8[%get3A] {strides = array<i32>} : memref<16512xi32, #tpu.memory_space<vmem>>, vector<16xi32>,
      %mul3A_230 = arith.constant 16 : i32
      %mul3A_231 = arith.muli %while3A_225, %mul3A_230 : i32
      %add3A_232 = vector.broadcast %mul3A_231 : i32 to vector<16xi32>
      %add3A_233 = arith.addi %iota3A, %add3A_232 : vector<16xi32>
      %lt3A_234 = vector.broadcast %squeeze3A : i32 to vector<16xi32>
      %lt3A_235 = arith.cmpi slt, %add3A_233, %lt3A_234 : vector<16xi32>
      %shift_right_logical3A_236 = arith.constant 26 : i32
      %shift_right_logical3A_237 = vector.broadcast %shift_right_logical3A_236 : i32 to vector<16xi32>
      %shift_right_logical3A_238 = arith.shrui %get3A_229, %shift_right_logical3A_237 : vector<16xi32>
      %and3A = arith.constant 1 : i32
      %and3A_239 = vector.broadcast %and3A : i32 to vector<16xi32>
      %and3A_240 = arith.andi %shift_right_logical3A_238, %and3A_239 : vector<16xi32>
      %eq3A_241 = arith.constant 1 : i32
      %eq3A_242 = vector.broadcast %eq3A_241 : i32 to vector<16xi32>
      %eq3A_243 = arith.cmpi eq, %and3A_240, %eq3A_242 : vector<16xi32>
      %not3A = arith.constant dense<true> : vector<16xi1>
      %not3A_244 = arith.xori %eq3A_243, %not3A : vector<16xi1>
      %and3A_245 = arith.andi %lt3A_235, %not3A_244 : vector<16xi1>
      %all_reduce_population_count3A = tpu.all_reduce %and3A_245 {dim = 0 : i64, kind = #tpu.reduction_kind<sum>} : vector<16xi1> -> vector<16xi32>
      %add3A_246 = arith.addi %while3A_226, %all_reduce_population_count3A : vector<16xi32>
      scf.yield %add3A_246 : vector<16xi32>
    }
    %while3A_124 = arith.constant 1 : i32
    %while3A_125 = scf.for %while3A_225 = %while3A_121 to %while3A_117 step %while3A_124 iter_args(%while3A_226 = %while3A_123) -> (vector<16xi32>)  : i32 {
      %mul3A_227 = arith.constant 16 : i32
      %mul3A_228 = arith.muli %while3A_225, %mul3A_227 : i32
      %get3A = arith.index_cast %mul3A_228 : i32 to index
      %get3A_229 = tpu.vector_load %arg8[%get3A] {strides = array<i32>} : memref<16512xi32, #tpu.memory_space<vmem>>, vector<16xi32>,
      %mul3A_230 = arith.constant 16 : i32
      %mul3A_231 = arith.muli %while3A_225, %mul3A_230 : i32
      %add3A_232 = vector.broadcast %mul3A_231 : i32 to vector<16xi32>
      %add3A_233 = arith.addi %iota3A, %add3A_232 : vector<16xi32>
      %lt3A_234 = vector.broadcast %squeeze3A : i32 to vector<16xi32>
      %lt3A_235 = arith.cmpi slt, %add3A_233, %lt3A_234 : vector<16xi32>
      %shift_right_logical3A_236 = arith.constant 26 : i32
      %shift_right_logical3A_237 = vector.broadcast %shift_right_logical3A_236 : i32 to vector<16xi32>
      %shift_right_logical3A_238 = arith.shrui %get3A_229, %shift_right_logical3A_237 : vector<16xi32>
      %and3A = arith.constant 1 : i32
      %and3A_239 = vector.broadcast %and3A : i32 to vector<16xi32>
      %and3A_240 = arith.andi %shift_right_logical3A_238, %and3A_239 : vector<16xi32>
      %eq3A_241 = arith.constant 1 : i32
      %eq3A_242 = vector.broadcast %eq3A_241 : i32 to vector<16xi32>
      %eq3A_243 = arith.cmpi eq, %and3A_240, %eq3A_242 : vector<16xi32>
      %not3A = arith.constant dense<true> : vector<16xi1>
      %not3A_244 = arith.xori %eq3A_243, %not3A : vector<16xi1>
      %and3A_245 = arith.andi %lt3A_235, %not3A_244 : vector<16xi1>
      %all_reduce_population_count3A = tpu.all_reduce %and3A_245 {dim = 0 : i64, kind = #tpu.reduction_kind<sum>} : vector<16xi1> -> vector<16xi32>
      %add3A_246 = arith.addi %while3A_226, %all_reduce_population_count3A : vector<16xi32>
      scf.yield %add3A_246 : vector<16xi32>
    }
    %while3A_126 = arith.constant 0 : i32
    %while3A_127 = arith.subi %shift_right_logical3A_49, %while3A_126 : i32
    %while3A_128 = arith.addi %while3A_126, %while3A_127 : i32
    %while3A_129 = arith.constant 1 : i32
    %while3A_130 = arith.divsi %while3A_127, %while3A_129 : i32
    %while3A_131 = arith.muli %while3A_130, %while3A_129 : i32
    %while3A_132 = arith.addi %while3A_126, %while3A_131 : i32
    %while3A_133 = arith.constant 1 : i32
    %while3A_134:2 = scf.for %while3A_225 = %while3A_126 to %while3A_132 step %while3A_133 iter_args(%while3A_226 = %broadcast_in_dim3A_18, %while3A_227 = %broadcast_in_dim3A_18) -> (vector<16xi32>, vector<16xi32>)  : i32 {
      %mul3A_228 = arith.constant 16 : i32
      %mul3A_229 = arith.muli %while3A_225, %mul3A_228 : i32
      %get3A = arith.index_cast %mul3A_229 : i32 to index
      %get3A_230 = tpu.vector_load %arg8[%get3A] {strides = array<i32>} : memref<16512xi32, #tpu.memory_space<vmem>>, vector<16xi32>,
      %mul3A_231 = arith.constant 16 : i32
      %mul3A_232 = arith.muli %while3A_225, %mul3A_231 : i32
      %add3A_233 = vector.broadcast %mul3A_232 : i32 to vector<16xi32>
      %add3A_234 = arith.addi %iota3A, %add3A_233 : vector<16xi32>
      %lt3A_235 = vector.broadcast %squeeze3A : i32 to vector<16xi32>
      %lt3A_236 = arith.cmpi slt, %add3A_234, %lt3A_235 : vector<16xi32>
      %shift_right_logical3A_237 = arith.constant 26 : i32
      %shift_right_logical3A_238 = vector.broadcast %shift_right_logical3A_237 : i32 to vector<16xi32>
      %shift_right_logical3A_239 = arith.shrui %get3A_230, %shift_right_logical3A_238 : vector<16xi32>
      %and3A = arith.constant 1 : i32
      %and3A_240 = vector.broadcast %and3A : i32 to vector<16xi32>
      %and3A_241 = arith.andi %shift_right_logical3A_239, %and3A_240 : vector<16xi32>
      %eq3A_242 = arith.constant 1 : i32
      %eq3A_243 = vector.broadcast %eq3A_242 : i32 to vector<16xi32>
      %eq3A_244 = arith.cmpi eq, %and3A_241, %eq3A_243 : vector<16xi32>
      %not3A = arith.constant dense<true> : vector<16xi1>
      %not3A_245 = arith.xori %eq3A_244, %not3A : vector<16xi1>
      %and3A_246 = arith.andi %lt3A_236, %not3A_245 : vector<16xi1>
      %and3A_247 = arith.andi %lt3A_236, %eq3A_244 : vector<16xi1>
      %jit3A_248 = arith.constant 1 : i32
      %jit3A_249 = arith.constant 0 : i32
      %broadcast_in_dim3A_250 = vector.broadcast %jit3A_248 : i32 to vector<16xi32>
      %broadcast_in_dim3A_251 = vector.broadcast %jit3A_249 : i32 to vector<16xi32>
      %select_n3A_252 = arith.select %and3A_246, %broadcast_in_dim3A_250, %broadcast_in_dim3A_251 : vector<16xi1>, vector<16xi32>
      %broadcast_in_dim3A_253 = arith.constant true
      %broadcast_in_dim3A_254 = vector.broadcast %broadcast_in_dim3A_253 : i1 to vector<16xi1>
      %masked_cumsum3A = tpu.scan <sum>, %select_n3A_252 masked %broadcast_in_dim3A_254 : vector<16xi32>, vector<16xi1> -> vector<16xi32>
      %add3A_255 = arith.addi %while3A_226, %masked_cumsum3A : vector<16xi32>
      %sub3A_256 = arith.constant 1 : i32
      %sub3A_257 = vector.broadcast %sub3A_256 : i32 to vector<16xi32>
      %sub3A_258 = arith.subi %add3A_255, %sub3A_257 : vector<16xi32>
      %add3A_259 = arith.addi %while3A_125, %while3A_227 : vector<16xi32>
      %jit3A_260 = arith.constant 1 : i32
      %jit3A_261 = arith.constant 0 : i32
      %broadcast_in_dim3A_262 = vector.broadcast %jit3A_260 : i32 to vector<16xi32>
      %broadcast_in_dim3A_263 = vector.broadcast %jit3A_261 : i32 to vector<16xi32>
      %select_n3A_264 = arith.select %and3A_247, %broadcast_in_dim3A_262, %broadcast_in_dim3A_263 : vector<16xi1>, vector<16xi32>
      %broadcast_in_dim3A_265 = arith.constant true
      %broadcast_in_dim3A_266 = vector.broadcast %broadcast_in_dim3A_265 : i1 to vector<16xi1>
      %masked_cumsum3A_267 = tpu.scan <sum>, %select_n3A_264 masked %broadcast_in_dim3A_266 : vector<16xi32>, vector<16xi1> -> vector<16xi32>
      %add3A_268 = arith.addi %add3A_259, %masked_cumsum3A_267 : vector<16xi32>
      %sub3A_269 = arith.constant 1 : i32
      %sub3A_270 = vector.broadcast %sub3A_269 : i32 to vector<16xi32>
      %sub3A_271 = arith.subi %add3A_268, %sub3A_270 : vector<16xi32>
      tpu.vector_store_idx %arg7[%sub3A_258], %get3A_230 masked %and3A_246 : memref<16512xi32, #tpu.memory_space<vmem>>[vector<16xi32>], vector<16xi32>, vector<16xi1>
      tpu.vector_store_idx %arg7[%sub3A_271], %get3A_230 masked %and3A_247 : memref<16512xi32, #tpu.memory_space<vmem>>[vector<16xi32>], vector<16xi32>, vector<16xi1>
      %all_reduce_population_count3A = tpu.all_reduce %and3A_246 {dim = 0 : i64, kind = #tpu.reduction_kind<sum>} : vector<16xi1> -> vector<16xi32>
      %add3A_272 = arith.addi %while3A_226, %all_reduce_population_count3A : vector<16xi32>
      %all_reduce_population_count3A_273 = tpu.all_reduce %and3A_247 {dim = 0 : i64, kind = #tpu.reduction_kind<sum>} : vector<16xi1> -> vector<16xi32>
      %add3A_274 = arith.addi %while3A_227, %all_reduce_population_count3A_273 : vector<16xi32>
      scf.yield %add3A_272, %add3A_274 : vector<16xi32>, vector<16xi32>
    }
    %while3A_135 = arith.constant 1 : i32
    %while3A_136:2 = scf.for %while3A_225 = %while3A_132 to %while3A_128 step %while3A_135 iter_args(%while3A_226 = %while3A_134#0, %while3A_227 = %while3A_134#1) -> (vector<16xi32>, vector<16xi32>)  : i32 {
      %mul3A_228 = arith.constant 16 : i32
      %mul3A_229 = arith.muli %while3A_225, %mul3A_228 : i32
      %get3A = arith.index_cast %mul3A_229 : i32 to index
      %get3A_230 = tpu.vector_load %arg8[%get3A] {strides = array<i32>} : memref<16512xi32, #tpu.memory_space<vmem>>, vector<16xi32>,
      %mul3A_231 = arith.constant 16 : i32
      %mul3A_232 = arith.muli %while3A_225, %mul3A_231 : i32
      %add3A_233 = vector.broadcast %mul3A_232 : i32 to vector<16xi32>
      %add3A_234 = arith.addi %iota3A, %add3A_233 : vector<16xi32>
      %lt3A_235 = vector.broadcast %squeeze3A : i32 to vector<16xi32>
      %lt3A_236 = arith.cmpi slt, %add3A_234, %lt3A_235 : vector<16xi32>
      %shift_right_logical3A_237 = arith.constant 26 : i32
      %shift_right_logical3A_238 = vector.broadcast %shift_right_logical3A_237 : i32 to vector<16xi32>
      %shift_right_logical3A_239 = arith.shrui %get3A_230, %shift_right_logical3A_238 : vector<16xi32>
      %and3A = arith.constant 1 : i32
      %and3A_240 = vector.broadcast %and3A : i32 to vector<16xi32>
      %and3A_241 = arith.andi %shift_right_logical3A_239, %and3A_240 : vector<16xi32>
      %eq3A_242 = arith.constant 1 : i32
      %eq3A_243 = vector.broadcast %eq3A_242 : i32 to vector<16xi32>
      %eq3A_244 = arith.cmpi eq, %and3A_241, %eq3A_243 : vector<16xi32>
      %not3A = arith.constant dense<true> : vector<16xi1>
      %not3A_245 = arith.xori %eq3A_244, %not3A : vector<16xi1>
      %and3A_246 = arith.andi %lt3A_236, %not3A_245 : vector<16xi1>
      %and3A_247 = arith.andi %lt3A_236, %eq3A_244 : vector<16xi1>
      %jit3A_248 = arith.constant 1 : i32
      %jit3A_249 = arith.constant 0 : i32
      %broadcast_in_dim3A_250 = vector.broadcast %jit3A_248 : i32 to vector<16xi32>
      %broadcast_in_dim3A_251 = vector.broadcast %jit3A_249 : i32 to vector<16xi32>
      %select_n3A_252 = arith.select %and3A_246, %broadcast_in_dim3A_250, %broadcast_in_dim3A_251 : vector<16xi1>, vector<16xi32>
      %broadcast_in_dim3A_253 = arith.constant true
      %broadcast_in_dim3A_254 = vector.broadcast %broadcast_in_dim3A_253 : i1 to vector<16xi1>
      %masked_cumsum3A = tpu.scan <sum>, %select_n3A_252 masked %broadcast_in_dim3A_254 : vector<16xi32>, vector<16xi1> -> vector<16xi32>
      %add3A_255 = arith.addi %while3A_226, %masked_cumsum3A : vector<16xi32>
      %sub3A_256 = arith.constant 1 : i32
      %sub3A_257 = vector.broadcast %sub3A_256 : i32 to vector<16xi32>
      %sub3A_258 = arith.subi %add3A_255, %sub3A_257 : vector<16xi32>
      %add3A_259 = arith.addi %while3A_125, %while3A_227 : vector<16xi32>
      %jit3A_260 = arith.constant 1 : i32
      %jit3A_261 = arith.constant 0 : i32
      %broadcast_in_dim3A_262 = vector.broadcast %jit3A_260 : i32 to vector<16xi32>
      %broadcast_in_dim3A_263 = vector.broadcast %jit3A_261 : i32 to vector<16xi32>
      %select_n3A_264 = arith.select %and3A_247, %broadcast_in_dim3A_262, %broadcast_in_dim3A_263 : vector<16xi1>, vector<16xi32>
      %broadcast_in_dim3A_265 = arith.constant true
      %broadcast_in_dim3A_266 = vector.broadcast %broadcast_in_dim3A_265 : i1 to vector<16xi1>
      %masked_cumsum3A_267 = tpu.scan <sum>, %select_n3A_264 masked %broadcast_in_dim3A_266 : vector<16xi32>, vector<16xi1> -> vector<16xi32>
      %add3A_268 = arith.addi %add3A_259, %masked_cumsum3A_267 : vector<16xi32>
      %sub3A_269 = arith.constant 1 : i32
      %sub3A_270 = vector.broadcast %sub3A_269 : i32 to vector<16xi32>
      %sub3A_271 = arith.subi %add3A_268, %sub3A_270 : vector<16xi32>
      tpu.vector_store_idx %arg7[%sub3A_258], %get3A_230 masked %and3A_246 : memref<16512xi32, #tpu.memory_space<vmem>>[vector<16xi32>], vector<16xi32>, vector<16xi1>
      tpu.vector_store_idx %arg7[%sub3A_271], %get3A_230 masked %and3A_247 : memref<16512xi32, #tpu.memory_space<vmem>>[vector<16xi32>], vector<16xi32>, vector<16xi1>
      %all_reduce_population_count3A = tpu.all_reduce %and3A_246 {dim = 0 : i64, kind = #tpu.reduction_kind<sum>} : vector<16xi1> -> vector<16xi32>
      %add3A_272 = arith.addi %while3A_226, %all_reduce_population_count3A : vector<16xi32>
      %all_reduce_population_count3A_273 = tpu.all_reduce %and3A_247 {dim = 0 : i64, kind = #tpu.reduction_kind<sum>} : vector<16xi1> -> vector<16xi32>
      %add3A_274 = arith.addi %while3A_227, %all_reduce_population_count3A_273 : vector<16xi32>
      scf.yield %add3A_272, %add3A_274 : vector<16xi32>, vector<16xi32>
    }
    %while3A_137 = arith.constant 0 : i32
    %while3A_138 = arith.subi %shift_right_logical3A_49, %while3A_137 : i32
    %while3A_139 = arith.addi %while3A_137, %while3A_138 : i32
    %while3A_140 = arith.constant 1 : i32
    %while3A_141 = arith.divsi %while3A_138, %while3A_140 : i32
    %while3A_142 = arith.muli %while3A_141, %while3A_140 : i32
    %while3A_143 = arith.addi %while3A_137, %while3A_142 : i32
    %while3A_144 = arith.constant 1 : i32
    %while3A_145 = scf.for %while3A_225 = %while3A_137 to %while3A_143 step %while3A_144 iter_args(%while3A_226 = %broadcast_in_dim3A_18) -> (vector<16xi32>)  : i32 {
      %mul3A_227 = arith.constant 16 : i32
      %mul3A_228 = arith.muli %while3A_225, %mul3A_227 : i32
      %get3A = arith.index_cast %mul3A_228 : i32 to index
      %get3A_229 = tpu.vector_load %arg7[%get3A] {strides = array<i32>} : memref<16512xi32, #tpu.memory_space<vmem>>, vector<16xi32>,
      %mul3A_230 = arith.constant 16 : i32
      %mul3A_231 = arith.muli %while3A_225, %mul3A_230 : i32
      %add3A_232 = vector.broadcast %mul3A_231 : i32 to vector<16xi32>
      %add3A_233 = arith.addi %iota3A, %add3A_232 : vector<16xi32>
      %lt3A_234 = vector.broadcast %squeeze3A : i32 to vector<16xi32>
      %lt3A_235 = arith.cmpi slt, %add3A_233, %lt3A_234 : vector<16xi32>
      %shift_right_logical3A_236 = arith.constant 27 : i32
      %shift_right_logical3A_237 = vector.broadcast %shift_right_logical3A_236 : i32 to vector<16xi32>
      %shift_right_logical3A_238 = arith.shrui %get3A_229, %shift_right_logical3A_237 : vector<16xi32>
      %and3A = arith.constant 1 : i32
      %and3A_239 = vector.broadcast %and3A : i32 to vector<16xi32>
      %and3A_240 = arith.andi %shift_right_logical3A_238, %and3A_239 : vector<16xi32>
      %eq3A_241 = arith.constant 1 : i32
      %eq3A_242 = vector.broadcast %eq3A_241 : i32 to vector<16xi32>
      %eq3A_243 = arith.cmpi eq, %and3A_240, %eq3A_242 : vector<16xi32>
      %not3A = arith.constant dense<true> : vector<16xi1>
      %not3A_244 = arith.xori %eq3A_243, %not3A : vector<16xi1>
      %and3A_245 = arith.andi %lt3A_235, %not3A_244 : vector<16xi1>
      %all_reduce_population_count3A = tpu.all_reduce %and3A_245 {dim = 0 : i64, kind = #tpu.reduction_kind<sum>} : vector<16xi1> -> vector<16xi32>
      %add3A_246 = arith.addi %while3A_226, %all_reduce_population_count3A : vector<16xi32>
      scf.yield %add3A_246 : vector<16xi32>
    }
    %while3A_146 = arith.constant 1 : i32
    %while3A_147 = scf.for %while3A_225 = %while3A_143 to %while3A_139 step %while3A_146 iter_args(%while3A_226 = %while3A_145) -> (vector<16xi32>)  : i32 {
      %mul3A_227 = arith.constant 16 : i32
      %mul3A_228 = arith.muli %while3A_225, %mul3A_227 : i32
      %get3A = arith.index_cast %mul3A_228 : i32 to index
      %get3A_229 = tpu.vector_load %arg7[%get3A] {strides = array<i32>} : memref<16512xi32, #tpu.memory_space<vmem>>, vector<16xi32>,
      %mul3A_230 = arith.constant 16 : i32
      %mul3A_231 = arith.muli %while3A_225, %mul3A_230 : i32
      %add3A_232 = vector.broadcast %mul3A_231 : i32 to vector<16xi32>
      %add3A_233 = arith.addi %iota3A, %add3A_232 : vector<16xi32>
      %lt3A_234 = vector.broadcast %squeeze3A : i32 to vector<16xi32>
      %lt3A_235 = arith.cmpi slt, %add3A_233, %lt3A_234 : vector<16xi32>
      %shift_right_logical3A_236 = arith.constant 27 : i32
      %shift_right_logical3A_237 = vector.broadcast %shift_right_logical3A_236 : i32 to vector<16xi32>
      %shift_right_logical3A_238 = arith.shrui %get3A_229, %shift_right_logical3A_237 : vector<16xi32>
      %and3A = arith.constant 1 : i32
      %and3A_239 = vector.broadcast %and3A : i32 to vector<16xi32>
      %and3A_240 = arith.andi %shift_right_logical3A_238, %and3A_239 : vector<16xi32>
      %eq3A_241 = arith.constant 1 : i32
      %eq3A_242 = vector.broadcast %eq3A_241 : i32 to vector<16xi32>
      %eq3A_243 = arith.cmpi eq, %and3A_240, %eq3A_242 : vector<16xi32>
      %not3A = arith.constant dense<true> : vector<16xi1>
      %not3A_244 = arith.xori %eq3A_243, %not3A : vector<16xi1>
      %and3A_245 = arith.andi %lt3A_235, %not3A_244 : vector<16xi1>
      %all_reduce_population_count3A = tpu.all_reduce %and3A_245 {dim = 0 : i64, kind = #tpu.reduction_kind<sum>} : vector<16xi1> -> vector<16xi32>
      %add3A_246 = arith.addi %while3A_226, %all_reduce_population_count3A : vector<16xi32>
      scf.yield %add3A_246 : vector<16xi32>
    }
    %while3A_148 = arith.constant 0 : i32
    %while3A_149 = arith.subi %shift_right_logical3A_49, %while3A_148 : i32
    %while3A_150 = arith.addi %while3A_148, %while3A_149 : i32
    %while3A_151 = arith.constant 1 : i32
    %while3A_152 = arith.divsi %while3A_149, %while3A_151 : i32
    %while3A_153 = arith.muli %while3A_152, %while3A_151 : i32
    %while3A_154 = arith.addi %while3A_148, %while3A_153 : i32
    %while3A_155 = arith.constant 1 : i32
    %while3A_156:2 = scf.for %while3A_225 = %while3A_148 to %while3A_154 step %while3A_155 iter_args(%while3A_226 = %broadcast_in_dim3A_18, %while3A_227 = %broadcast_in_dim3A_18) -> (vector<16xi32>, vector<16xi32>)  : i32 {
      %mul3A_228 = arith.constant 16 : i32
      %mul3A_229 = arith.muli %while3A_225, %mul3A_228 : i32
      %get3A = arith.index_cast %mul3A_229 : i32 to index
      %get3A_230 = tpu.vector_load %arg7[%get3A] {strides = array<i32>} : memref<16512xi32, #tpu.memory_space<vmem>>, vector<16xi32>,
      %mul3A_231 = arith.constant 16 : i32
      %mul3A_232 = arith.muli %while3A_225, %mul3A_231 : i32
      %add3A_233 = vector.broadcast %mul3A_232 : i32 to vector<16xi32>
      %add3A_234 = arith.addi %iota3A, %add3A_233 : vector<16xi32>
      %lt3A_235 = vector.broadcast %squeeze3A : i32 to vector<16xi32>
      %lt3A_236 = arith.cmpi slt, %add3A_234, %lt3A_235 : vector<16xi32>
      %shift_right_logical3A_237 = arith.constant 27 : i32
      %shift_right_logical3A_238 = vector.broadcast %shift_right_logical3A_237 : i32 to vector<16xi32>
      %shift_right_logical3A_239 = arith.shrui %get3A_230, %shift_right_logical3A_238 : vector<16xi32>
      %and3A = arith.constant 1 : i32
      %and3A_240 = vector.broadcast %and3A : i32 to vector<16xi32>
      %and3A_241 = arith.andi %shift_right_logical3A_239, %and3A_240 : vector<16xi32>
      %eq3A_242 = arith.constant 1 : i32
      %eq3A_243 = vector.broadcast %eq3A_242 : i32 to vector<16xi32>
      %eq3A_244 = arith.cmpi eq, %and3A_241, %eq3A_243 : vector<16xi32>
      %not3A = arith.constant dense<true> : vector<16xi1>
      %not3A_245 = arith.xori %eq3A_244, %not3A : vector<16xi1>
      %and3A_246 = arith.andi %lt3A_236, %not3A_245 : vector<16xi1>
      %and3A_247 = arith.andi %lt3A_236, %eq3A_244 : vector<16xi1>
      %jit3A_248 = arith.constant 1 : i32
      %jit3A_249 = arith.constant 0 : i32
      %broadcast_in_dim3A_250 = vector.broadcast %jit3A_248 : i32 to vector<16xi32>
      %broadcast_in_dim3A_251 = vector.broadcast %jit3A_249 : i32 to vector<16xi32>
      %select_n3A_252 = arith.select %and3A_246, %broadcast_in_dim3A_250, %broadcast_in_dim3A_251 : vector<16xi1>, vector<16xi32>
      %broadcast_in_dim3A_253 = arith.constant true
      %broadcast_in_dim3A_254 = vector.broadcast %broadcast_in_dim3A_253 : i1 to vector<16xi1>
      %masked_cumsum3A = tpu.scan <sum>, %select_n3A_252 masked %broadcast_in_dim3A_254 : vector<16xi32>, vector<16xi1> -> vector<16xi32>
      %add3A_255 = arith.addi %while3A_226, %masked_cumsum3A : vector<16xi32>
      %sub3A_256 = arith.constant 1 : i32
      %sub3A_257 = vector.broadcast %sub3A_256 : i32 to vector<16xi32>
      %sub3A_258 = arith.subi %add3A_255, %sub3A_257 : vector<16xi32>
      %add3A_259 = arith.addi %while3A_147, %while3A_227 : vector<16xi32>
      %jit3A_260 = arith.constant 1 : i32
      %jit3A_261 = arith.constant 0 : i32
      %broadcast_in_dim3A_262 = vector.broadcast %jit3A_260 : i32 to vector<16xi32>
      %broadcast_in_dim3A_263 = vector.broadcast %jit3A_261 : i32 to vector<16xi32>
      %select_n3A_264 = arith.select %and3A_247, %broadcast_in_dim3A_262, %broadcast_in_dim3A_263 : vector<16xi1>, vector<16xi32>
      %broadcast_in_dim3A_265 = arith.constant true
      %broadcast_in_dim3A_266 = vector.broadcast %broadcast_in_dim3A_265 : i1 to vector<16xi1>
      %masked_cumsum3A_267 = tpu.scan <sum>, %select_n3A_264 masked %broadcast_in_dim3A_266 : vector<16xi32>, vector<16xi1> -> vector<16xi32>
      %add3A_268 = arith.addi %add3A_259, %masked_cumsum3A_267 : vector<16xi32>
      %sub3A_269 = arith.constant 1 : i32
      %sub3A_270 = vector.broadcast %sub3A_269 : i32 to vector<16xi32>
      %sub3A_271 = arith.subi %add3A_268, %sub3A_270 : vector<16xi32>
      tpu.vector_store_idx %arg8[%sub3A_258], %get3A_230 masked %and3A_246 : memref<16512xi32, #tpu.memory_space<vmem>>[vector<16xi32>], vector<16xi32>, vector<16xi1>
      tpu.vector_store_idx %arg8[%sub3A_271], %get3A_230 masked %and3A_247 : memref<16512xi32, #tpu.memory_space<vmem>>[vector<16xi32>], vector<16xi32>, vector<16xi1>
      %all_reduce_population_count3A = tpu.all_reduce %and3A_246 {dim = 0 : i64, kind = #tpu.reduction_kind<sum>} : vector<16xi1> -> vector<16xi32>
      %add3A_272 = arith.addi %while3A_226, %all_reduce_population_count3A : vector<16xi32>
      %all_reduce_population_count3A_273 = tpu.all_reduce %and3A_247 {dim = 0 : i64, kind = #tpu.reduction_kind<sum>} : vector<16xi1> -> vector<16xi32>
      %add3A_274 = arith.addi %while3A_227, %all_reduce_population_count3A_273 : vector<16xi32>
      scf.yield %add3A_272, %add3A_274 : vector<16xi32>, vector<16xi32>
    }
    %while3A_157 = arith.constant 1 : i32
    %while3A_158:2 = scf.for %while3A_225 = %while3A_154 to %while3A_150 step %while3A_157 iter_args(%while3A_226 = %while3A_156#0, %while3A_227 = %while3A_156#1) -> (vector<16xi32>, vector<16xi32>)  : i32 {
      %mul3A_228 = arith.constant 16 : i32
      %mul3A_229 = arith.muli %while3A_225, %mul3A_228 : i32
      %get3A = arith.index_cast %mul3A_229 : i32 to index
      %get3A_230 = tpu.vector_load %arg7[%get3A] {strides = array<i32>} : memref<16512xi32, #tpu.memory_space<vmem>>, vector<16xi32>,
      %mul3A_231 = arith.constant 16 : i32
      %mul3A_232 = arith.muli %while3A_225, %mul3A_231 : i32
      %add3A_233 = vector.broadcast %mul3A_232 : i32 to vector<16xi32>
      %add3A_234 = arith.addi %iota3A, %add3A_233 : vector<16xi32>
      %lt3A_235 = vector.broadcast %squeeze3A : i32 to vector<16xi32>
      %lt3A_236 = arith.cmpi slt, %add3A_234, %lt3A_235 : vector<16xi32>
      %shift_right_logical3A_237 = arith.constant 27 : i32
      %shift_right_logical3A_238 = vector.broadcast %shift_right_logical3A_237 : i32 to vector<16xi32>
      %shift_right_logical3A_239 = arith.shrui %get3A_230, %shift_right_logical3A_238 : vector<16xi32>
      %and3A = arith.constant 1 : i32
      %and3A_240 = vector.broadcast %and3A : i32 to vector<16xi32>
      %and3A_241 = arith.andi %shift_right_logical3A_239, %and3A_240 : vector<16xi32>
      %eq3A_242 = arith.constant 1 : i32
      %eq3A_243 = vector.broadcast %eq3A_242 : i32 to vector<16xi32>
      %eq3A_244 = arith.cmpi eq, %and3A_241, %eq3A_243 : vector<16xi32>
      %not3A = arith.constant dense<true> : vector<16xi1>
      %not3A_245 = arith.xori %eq3A_244, %not3A : vector<16xi1>
      %and3A_246 = arith.andi %lt3A_236, %not3A_245 : vector<16xi1>
      %and3A_247 = arith.andi %lt3A_236, %eq3A_244 : vector<16xi1>
      %jit3A_248 = arith.constant 1 : i32
      %jit3A_249 = arith.constant 0 : i32
      %broadcast_in_dim3A_250 = vector.broadcast %jit3A_248 : i32 to vector<16xi32>
      %broadcast_in_dim3A_251 = vector.broadcast %jit3A_249 : i32 to vector<16xi32>
      %select_n3A_252 = arith.select %and3A_246, %broadcast_in_dim3A_250, %broadcast_in_dim3A_251 : vector<16xi1>, vector<16xi32>
      %broadcast_in_dim3A_253 = arith.constant true
      %broadcast_in_dim3A_254 = vector.broadcast %broadcast_in_dim3A_253 : i1 to vector<16xi1>
      %masked_cumsum3A = tpu.scan <sum>, %select_n3A_252 masked %broadcast_in_dim3A_254 : vector<16xi32>, vector<16xi1> -> vector<16xi32>
      %add3A_255 = arith.addi %while3A_226, %masked_cumsum3A : vector<16xi32>
      %sub3A_256 = arith.constant 1 : i32
      %sub3A_257 = vector.broadcast %sub3A_256 : i32 to vector<16xi32>
      %sub3A_258 = arith.subi %add3A_255, %sub3A_257 : vector<16xi32>
      %add3A_259 = arith.addi %while3A_147, %while3A_227 : vector<16xi32>
      %jit3A_260 = arith.constant 1 : i32
      %jit3A_261 = arith.constant 0 : i32
      %broadcast_in_dim3A_262 = vector.broadcast %jit3A_260 : i32 to vector<16xi32>
      %broadcast_in_dim3A_263 = vector.broadcast %jit3A_261 : i32 to vector<16xi32>
      %select_n3A_264 = arith.select %and3A_247, %broadcast_in_dim3A_262, %broadcast_in_dim3A_263 : vector<16xi1>, vector<16xi32>
      %broadcast_in_dim3A_265 = arith.constant true
      %broadcast_in_dim3A_266 = vector.broadcast %broadcast_in_dim3A_265 : i1 to vector<16xi1>
      %masked_cumsum3A_267 = tpu.scan <sum>, %select_n3A_264 masked %broadcast_in_dim3A_266 : vector<16xi32>, vector<16xi1> -> vector<16xi32>
      %add3A_268 = arith.addi %add3A_259, %masked_cumsum3A_267 : vector<16xi32>
      %sub3A_269 = arith.constant 1 : i32
      %sub3A_270 = vector.broadcast %sub3A_269 : i32 to vector<16xi32>
      %sub3A_271 = arith.subi %add3A_268, %sub3A_270 : vector<16xi32>
      tpu.vector_store_idx %arg8[%sub3A_258], %get3A_230 masked %and3A_246 : memref<16512xi32, #tpu.memory_space<vmem>>[vector<16xi32>], vector<16xi32>, vector<16xi1>
      tpu.vector_store_idx %arg8[%sub3A_271], %get3A_230 masked %and3A_247 : memref<16512xi32, #tpu.memory_space<vmem>>[vector<16xi32>], vector<16xi32>, vector<16xi1>
      %all_reduce_population_count3A = tpu.all_reduce %and3A_246 {dim = 0 : i64, kind = #tpu.reduction_kind<sum>} : vector<16xi1> -> vector<16xi32>
      %add3A_272 = arith.addi %while3A_226, %all_reduce_population_count3A : vector<16xi32>
      %all_reduce_population_count3A_273 = tpu.all_reduce %and3A_247 {dim = 0 : i64, kind = #tpu.reduction_kind<sum>} : vector<16xi1> -> vector<16xi32>
      %add3A_274 = arith.addi %while3A_227, %all_reduce_population_count3A_273 : vector<16xi32>
      scf.yield %add3A_272, %add3A_274 : vector<16xi32>, vector<16xi32>
    }
    %while3A_159 = arith.constant 0 : i32
    %while3A_160 = arith.subi %shift_right_logical3A_49, %while3A_159 : i32
    %while3A_161 = arith.addi %while3A_159, %while3A_160 : i32
    %while3A_162 = arith.constant 1 : i32
    %while3A_163 = arith.divsi %while3A_160, %while3A_162 : i32
    %while3A_164 = arith.muli %while3A_163, %while3A_162 : i32
    %while3A_165 = arith.addi %while3A_159, %while3A_164 : i32
    %while3A_166 = arith.constant 1 : i32
    %while3A_167 = scf.for %while3A_225 = %while3A_159 to %while3A_165 step %while3A_166 iter_args(%while3A_226 = %broadcast_in_dim3A_18) -> (vector<16xi32>)  : i32 {
      %mul3A_227 = arith.constant 16 : i32
      %mul3A_228 = arith.muli %while3A_225, %mul3A_227 : i32
      %get3A = arith.index_cast %mul3A_228 : i32 to index
      %get3A_229 = tpu.vector_load %arg8[%get3A] {strides = array<i32>} : memref<16512xi32, #tpu.memory_space<vmem>>, vector<16xi32>,
      %mul3A_230 = arith.constant 16 : i32
      %mul3A_231 = arith.muli %while3A_225, %mul3A_230 : i32
      %add3A_232 = vector.broadcast %mul3A_231 : i32 to vector<16xi32>
      %add3A_233 = arith.addi %iota3A, %add3A_232 : vector<16xi32>
      %lt3A_234 = vector.broadcast %squeeze3A : i32 to vector<16xi32>
      %lt3A_235 = arith.cmpi slt, %add3A_233, %lt3A_234 : vector<16xi32>
      %shift_right_logical3A_236 = arith.constant 28 : i32
      %shift_right_logical3A_237 = vector.broadcast %shift_right_logical3A_236 : i32 to vector<16xi32>
      %shift_right_logical3A_238 = arith.shrui %get3A_229, %shift_right_logical3A_237 : vector<16xi32>
      %and3A = arith.constant 1 : i32
      %and3A_239 = vector.broadcast %and3A : i32 to vector<16xi32>
      %and3A_240 = arith.andi %shift_right_logical3A_238, %and3A_239 : vector<16xi32>
      %eq3A_241 = arith.constant 1 : i32
      %eq3A_242 = vector.broadcast %eq3A_241 : i32 to vector<16xi32>
      %eq3A_243 = arith.cmpi eq, %and3A_240, %eq3A_242 : vector<16xi32>
      %not3A = arith.constant dense<true> : vector<16xi1>
      %not3A_244 = arith.xori %eq3A_243, %not3A : vector<16xi1>
      %and3A_245 = arith.andi %lt3A_235, %not3A_244 : vector<16xi1>
      %all_reduce_population_count3A = tpu.all_reduce %and3A_245 {dim = 0 : i64, kind = #tpu.reduction_kind<sum>} : vector<16xi1> -> vector<16xi32>
      %add3A_246 = arith.addi %while3A_226, %all_reduce_population_count3A : vector<16xi32>
      scf.yield %add3A_246 : vector<16xi32>
    }
    %while3A_168 = arith.constant 1 : i32
    %while3A_169 = scf.for %while3A_225 = %while3A_165 to %while3A_161 step %while3A_168 iter_args(%while3A_226 = %while3A_167) -> (vector<16xi32>)  : i32 {
      %mul3A_227 = arith.constant 16 : i32
      %mul3A_228 = arith.muli %while3A_225, %mul3A_227 : i32
      %get3A = arith.index_cast %mul3A_228 : i32 to index
      %get3A_229 = tpu.vector_load %arg8[%get3A] {strides = array<i32>} : memref<16512xi32, #tpu.memory_space<vmem>>, vector<16xi32>,
      %mul3A_230 = arith.constant 16 : i32
      %mul3A_231 = arith.muli %while3A_225, %mul3A_230 : i32
      %add3A_232 = vector.broadcast %mul3A_231 : i32 to vector<16xi32>
      %add3A_233 = arith.addi %iota3A, %add3A_232 : vector<16xi32>
      %lt3A_234 = vector.broadcast %squeeze3A : i32 to vector<16xi32>
      %lt3A_235 = arith.cmpi slt, %add3A_233, %lt3A_234 : vector<16xi32>
      %shift_right_logical3A_236 = arith.constant 28 : i32
      %shift_right_logical3A_237 = vector.broadcast %shift_right_logical3A_236 : i32 to vector<16xi32>
      %shift_right_logical3A_238 = arith.shrui %get3A_229, %shift_right_logical3A_237 : vector<16xi32>
      %and3A = arith.constant 1 : i32
      %and3A_239 = vector.broadcast %and3A : i32 to vector<16xi32>
      %and3A_240 = arith.andi %shift_right_logical3A_238, %and3A_239 : vector<16xi32>
      %eq3A_241 = arith.constant 1 : i32
      %eq3A_242 = vector.broadcast %eq3A_241 : i32 to vector<16xi32>
      %eq3A_243 = arith.cmpi eq, %and3A_240, %eq3A_242 : vector<16xi32>
      %not3A = arith.constant dense<true> : vector<16xi1>
      %not3A_244 = arith.xori %eq3A_243, %not3A : vector<16xi1>
      %and3A_245 = arith.andi %lt3A_235, %not3A_244 : vector<16xi1>
      %all_reduce_population_count3A = tpu.all_reduce %and3A_245 {dim = 0 : i64, kind = #tpu.reduction_kind<sum>} : vector<16xi1> -> vector<16xi32>
      %add3A_246 = arith.addi %while3A_226, %all_reduce_population_count3A : vector<16xi32>
      scf.yield %add3A_246 : vector<16xi32>
    }
    %while3A_170 = arith.constant 0 : i32
    %while3A_171 = arith.subi %shift_right_logical3A_49, %while3A_170 : i32
    %while3A_172 = arith.addi %while3A_170, %while3A_171 : i32
    %while3A_173 = arith.constant 1 : i32
    %while3A_174 = arith.divsi %while3A_171, %while3A_173 : i32
    %while3A_175 = arith.muli %while3A_174, %while3A_173 : i32
    %while3A_176 = arith.addi %while3A_170, %while3A_175 : i32
    %while3A_177 = arith.constant 1 : i32
    %while3A_178:2 = scf.for %while3A_225 = %while3A_170 to %while3A_176 step %while3A_177 iter_args(%while3A_226 = %broadcast_in_dim3A_18, %while3A_227 = %broadcast_in_dim3A_18) -> (vector<16xi32>, vector<16xi32>)  : i32 {
      %mul3A_228 = arith.constant 16 : i32
      %mul3A_229 = arith.muli %while3A_225, %mul3A_228 : i32
      %get3A = arith.index_cast %mul3A_229 : i32 to index
      %get3A_230 = tpu.vector_load %arg8[%get3A] {strides = array<i32>} : memref<16512xi32, #tpu.memory_space<vmem>>, vector<16xi32>,
      %mul3A_231 = arith.constant 16 : i32
      %mul3A_232 = arith.muli %while3A_225, %mul3A_231 : i32
      %add3A_233 = vector.broadcast %mul3A_232 : i32 to vector<16xi32>
      %add3A_234 = arith.addi %iota3A, %add3A_233 : vector<16xi32>
      %lt3A_235 = vector.broadcast %squeeze3A : i32 to vector<16xi32>
      %lt3A_236 = arith.cmpi slt, %add3A_234, %lt3A_235 : vector<16xi32>
      %shift_right_logical3A_237 = arith.constant 28 : i32
      %shift_right_logical3A_238 = vector.broadcast %shift_right_logical3A_237 : i32 to vector<16xi32>
      %shift_right_logical3A_239 = arith.shrui %get3A_230, %shift_right_logical3A_238 : vector<16xi32>
      %and3A = arith.constant 1 : i32
      %and3A_240 = vector.broadcast %and3A : i32 to vector<16xi32>
      %and3A_241 = arith.andi %shift_right_logical3A_239, %and3A_240 : vector<16xi32>
      %eq3A_242 = arith.constant 1 : i32
      %eq3A_243 = vector.broadcast %eq3A_242 : i32 to vector<16xi32>
      %eq3A_244 = arith.cmpi eq, %and3A_241, %eq3A_243 : vector<16xi32>
      %not3A = arith.constant dense<true> : vector<16xi1>
      %not3A_245 = arith.xori %eq3A_244, %not3A : vector<16xi1>
      %and3A_246 = arith.andi %lt3A_236, %not3A_245 : vector<16xi1>
      %and3A_247 = arith.andi %lt3A_236, %eq3A_244 : vector<16xi1>
      %jit3A_248 = arith.constant 1 : i32
      %jit3A_249 = arith.constant 0 : i32
      %broadcast_in_dim3A_250 = vector.broadcast %jit3A_248 : i32 to vector<16xi32>
      %broadcast_in_dim3A_251 = vector.broadcast %jit3A_249 : i32 to vector<16xi32>
      %select_n3A_252 = arith.select %and3A_246, %broadcast_in_dim3A_250, %broadcast_in_dim3A_251 : vector<16xi1>, vector<16xi32>
      %broadcast_in_dim3A_253 = arith.constant true
      %broadcast_in_dim3A_254 = vector.broadcast %broadcast_in_dim3A_253 : i1 to vector<16xi1>
      %masked_cumsum3A = tpu.scan <sum>, %select_n3A_252 masked %broadcast_in_dim3A_254 : vector<16xi32>, vector<16xi1> -> vector<16xi32>
      %add3A_255 = arith.addi %while3A_226, %masked_cumsum3A : vector<16xi32>
      %sub3A_256 = arith.constant 1 : i32
      %sub3A_257 = vector.broadcast %sub3A_256 : i32 to vector<16xi32>
      %sub3A_258 = arith.subi %add3A_255, %sub3A_257 : vector<16xi32>
      %add3A_259 = arith.addi %while3A_169, %while3A_227 : vector<16xi32>
      %jit3A_260 = arith.constant 1 : i32
      %jit3A_261 = arith.constant 0 : i32
      %broadcast_in_dim3A_262 = vector.broadcast %jit3A_260 : i32 to vector<16xi32>
      %broadcast_in_dim3A_263 = vector.broadcast %jit3A_261 : i32 to vector<16xi32>
      %select_n3A_264 = arith.select %and3A_247, %broadcast_in_dim3A_262, %broadcast_in_dim3A_263 : vector<16xi1>, vector<16xi32>
      %broadcast_in_dim3A_265 = arith.constant true
      %broadcast_in_dim3A_266 = vector.broadcast %broadcast_in_dim3A_265 : i1 to vector<16xi1>
      %masked_cumsum3A_267 = tpu.scan <sum>, %select_n3A_264 masked %broadcast_in_dim3A_266 : vector<16xi32>, vector<16xi1> -> vector<16xi32>
      %add3A_268 = arith.addi %add3A_259, %masked_cumsum3A_267 : vector<16xi32>
      %sub3A_269 = arith.constant 1 : i32
      %sub3A_270 = vector.broadcast %sub3A_269 : i32 to vector<16xi32>
      %sub3A_271 = arith.subi %add3A_268, %sub3A_270 : vector<16xi32>
      tpu.vector_store_idx %arg7[%sub3A_258], %get3A_230 masked %and3A_246 : memref<16512xi32, #tpu.memory_space<vmem>>[vector<16xi32>], vector<16xi32>, vector<16xi1>
      tpu.vector_store_idx %arg7[%sub3A_271], %get3A_230 masked %and3A_247 : memref<16512xi32, #tpu.memory_space<vmem>>[vector<16xi32>], vector<16xi32>, vector<16xi1>
      %all_reduce_population_count3A = tpu.all_reduce %and3A_246 {dim = 0 : i64, kind = #tpu.reduction_kind<sum>} : vector<16xi1> -> vector<16xi32>
      %add3A_272 = arith.addi %while3A_226, %all_reduce_population_count3A : vector<16xi32>
      %all_reduce_population_count3A_273 = tpu.all_reduce %and3A_247 {dim = 0 : i64, kind = #tpu.reduction_kind<sum>} : vector<16xi1> -> vector<16xi32>
      %add3A_274 = arith.addi %while3A_227, %all_reduce_population_count3A_273 : vector<16xi32>
      scf.yield %add3A_272, %add3A_274 : vector<16xi32>, vector<16xi32>
    }
    %while3A_179 = arith.constant 1 : i32
    %while3A_180:2 = scf.for %while3A_225 = %while3A_176 to %while3A_172 step %while3A_179 iter_args(%while3A_226 = %while3A_178#0, %while3A_227 = %while3A_178#1) -> (vector<16xi32>, vector<16xi32>)  : i32 {
      %mul3A_228 = arith.constant 16 : i32
      %mul3A_229 = arith.muli %while3A_225, %mul3A_228 : i32
      %get3A = arith.index_cast %mul3A_229 : i32 to index
      %get3A_230 = tpu.vector_load %arg8[%get3A] {strides = array<i32>} : memref<16512xi32, #tpu.memory_space<vmem>>, vector<16xi32>,
      %mul3A_231 = arith.constant 16 : i32
      %mul3A_232 = arith.muli %while3A_225, %mul3A_231 : i32
      %add3A_233 = vector.broadcast %mul3A_232 : i32 to vector<16xi32>
      %add3A_234 = arith.addi %iota3A, %add3A_233 : vector<16xi32>
      %lt3A_235 = vector.broadcast %squeeze3A : i32 to vector<16xi32>
      %lt3A_236 = arith.cmpi slt, %add3A_234, %lt3A_235 : vector<16xi32>
      %shift_right_logical3A_237 = arith.constant 28 : i32
      %shift_right_logical3A_238 = vector.broadcast %shift_right_logical3A_237 : i32 to vector<16xi32>
      %shift_right_logical3A_239 = arith.shrui %get3A_230, %shift_right_logical3A_238 : vector<16xi32>
      %and3A = arith.constant 1 : i32
      %and3A_240 = vector.broadcast %and3A : i32 to vector<16xi32>
      %and3A_241 = arith.andi %shift_right_logical3A_239, %and3A_240 : vector<16xi32>
      %eq3A_242 = arith.constant 1 : i32
      %eq3A_243 = vector.broadcast %eq3A_242 : i32 to vector<16xi32>
      %eq3A_244 = arith.cmpi eq, %and3A_241, %eq3A_243 : vector<16xi32>
      %not3A = arith.constant dense<true> : vector<16xi1>
      %not3A_245 = arith.xori %eq3A_244, %not3A : vector<16xi1>
      %and3A_246 = arith.andi %lt3A_236, %not3A_245 : vector<16xi1>
      %and3A_247 = arith.andi %lt3A_236, %eq3A_244 : vector<16xi1>
      %jit3A_248 = arith.constant 1 : i32
      %jit3A_249 = arith.constant 0 : i32
      %broadcast_in_dim3A_250 = vector.broadcast %jit3A_248 : i32 to vector<16xi32>
      %broadcast_in_dim3A_251 = vector.broadcast %jit3A_249 : i32 to vector<16xi32>
      %select_n3A_252 = arith.select %and3A_246, %broadcast_in_dim3A_250, %broadcast_in_dim3A_251 : vector<16xi1>, vector<16xi32>
      %broadcast_in_dim3A_253 = arith.constant true
      %broadcast_in_dim3A_254 = vector.broadcast %broadcast_in_dim3A_253 : i1 to vector<16xi1>
      %masked_cumsum3A = tpu.scan <sum>, %select_n3A_252 masked %broadcast_in_dim3A_254 : vector<16xi32>, vector<16xi1> -> vector<16xi32>
      %add3A_255 = arith.addi %while3A_226, %masked_cumsum3A : vector<16xi32>
      %sub3A_256 = arith.constant 1 : i32
      %sub3A_257 = vector.broadcast %sub3A_256 : i32 to vector<16xi32>
      %sub3A_258 = arith.subi %add3A_255, %sub3A_257 : vector<16xi32>
      %add3A_259 = arith.addi %while3A_169, %while3A_227 : vector<16xi32>
      %jit3A_260 = arith.constant 1 : i32
      %jit3A_261 = arith.constant 0 : i32
      %broadcast_in_dim3A_262 = vector.broadcast %jit3A_260 : i32 to vector<16xi32>
      %broadcast_in_dim3A_263 = vector.broadcast %jit3A_261 : i32 to vector<16xi32>
      %select_n3A_264 = arith.select %and3A_247, %broadcast_in_dim3A_262, %broadcast_in_dim3A_263 : vector<16xi1>, vector<16xi32>
      %broadcast_in_dim3A_265 = arith.constant true
      %broadcast_in_dim3A_266 = vector.broadcast %broadcast_in_dim3A_265 : i1 to vector<16xi1>
      %masked_cumsum3A_267 = tpu.scan <sum>, %select_n3A_264 masked %broadcast_in_dim3A_266 : vector<16xi32>, vector<16xi1> -> vector<16xi32>
      %add3A_268 = arith.addi %add3A_259, %masked_cumsum3A_267 : vector<16xi32>
      %sub3A_269 = arith.constant 1 : i32
      %sub3A_270 = vector.broadcast %sub3A_269 : i32 to vector<16xi32>
      %sub3A_271 = arith.subi %add3A_268, %sub3A_270 : vector<16xi32>
      tpu.vector_store_idx %arg7[%sub3A_258], %get3A_230 masked %and3A_246 : memref<16512xi32, #tpu.memory_space<vmem>>[vector<16xi32>], vector<16xi32>, vector<16xi1>
      tpu.vector_store_idx %arg7[%sub3A_271], %get3A_230 masked %and3A_247 : memref<16512xi32, #tpu.memory_space<vmem>>[vector<16xi32>], vector<16xi32>, vector<16xi1>
      %all_reduce_population_count3A = tpu.all_reduce %and3A_246 {dim = 0 : i64, kind = #tpu.reduction_kind<sum>} : vector<16xi1> -> vector<16xi32>
      %add3A_272 = arith.addi %while3A_226, %all_reduce_population_count3A : vector<16xi32>
      %all_reduce_population_count3A_273 = tpu.all_reduce %and3A_247 {dim = 0 : i64, kind = #tpu.reduction_kind<sum>} : vector<16xi1> -> vector<16xi32>
      %add3A_274 = arith.addi %while3A_227, %all_reduce_population_count3A_273 : vector<16xi32>
      scf.yield %add3A_272, %add3A_274 : vector<16xi32>, vector<16xi32>
    }
    %add3A_181 = arith.constant 3 : i32
    %add3A_182 = arith.addi %add3A_4, %add3A_181 : i32
    %shift_right_logical3A_183 = arith.constant 2 : i32
    %shift_right_logical3A_184 = arith.shrui %add3A_182, %shift_right_logical3A_183 : i32
    %add3A_185 = arith.constant 1 : i32
    %add3A_186 = arith.addi %shift_right_logical3A_184, %add3A_185 : i32
    %shift_right_logical3A_187 = arith.constant 1 : i32
    %shift_right_logical3A_188 = arith.shrui %add3A_186, %shift_right_logical3A_187 : i32
    %while3A_189 = arith.constant 0 : i32
    %while3A_190 = arith.constant 0 : i32
    %while3A_191 = arith.subi %shift_right_logical3A_188, %while3A_189 : i32
    %while3A_192 = arith.addi %while3A_189, %while3A_191 : i32
    %while3A_193 = arith.constant 1 : i32
    %while3A_194 = arith.divsi %while3A_191, %while3A_193 : i32
    %while3A_195 = arith.muli %while3A_194, %while3A_193 : i32
    %while3A_196 = arith.addi %while3A_189, %while3A_195 : i32
    %while3A_197 = arith.constant 1 : i32
    %while3A_198 = scf.for %while3A_225 = %while3A_189 to %while3A_196 step %while3A_197 iter_args(%while3A_226 = %while3A_190) -> (i32)  : i32 {
      %mul3A_227 = arith.constant 2 : i32
      %mul3A_228 = arith.muli %mul3A_227, %while3A_225 : i32
      %dma_wait3A_229 = arith.constant 0 : i32
      %dma_wait3A_230 = arith.constant 0 : i32
      %dma_wait3A_231 = tpu.memref_slice %arg2[%dma_wait3A_229, %dma_wait3A_230] : memref<64x1000000xf32, #tpu.memory_space<hbm>> -> memref<64x512xf32, #tpu.memory_space<hbm>>
      %dma_wait3A_232 = arith.constant 0 : i32
      %dma_wait3A_233 = arith.constant 0 : i32
      %dma_wait3A_234 = tpu.memref_slice %arg2[%dma_wait3A_232, %dma_wait3A_233] : memref<64x1000000xf32, #tpu.memory_space<hbm>> -> memref<64x512xf32, #tpu.memory_space<hbm>>
      tpu.wait_dma2 semaphore(%arg13 : memref<!tpu.dma_semaphore, #tpu.memory_space<semaphore_mem>>) src(%dma_wait3A_234 : memref<64x512xf32, #tpu.memory_space<hbm>>) dst(%arg9 : memref<64x512xf32, #tpu.memory_space<vmem>>)
      %while3A_235 = scf.while (%while3A_275 = %while3A_226) : (i32) -> i32 {
        %get3A = arith.index_cast %while3A_275 : i32 to index
        %get3A_276 = tpu.vector_load %arg7[%get3A] {strides = array<i32>} : memref<16512xi32, #tpu.memory_space<vmem>>, vector<16xi32>,
        %slice3A_277 = vector.extract_strided_slice %get3A_276 {offsets = [0], sizes = [1], strides = [1]} : vector<16xi32> to vector<1xi32>
        %squeeze3A_278 = vector.extract %slice3A_277[0] : i32 from vector<1xi32>
        %shift_right_logical3A_279 = arith.constant 23 : i32
        %shift_right_logical3A_280 = arith.shrui %squeeze3A_278, %shift_right_logical3A_279 : i32
        %eq3A_281 = arith.cmpi eq, %shift_right_logical3A_280, %mul3A_228 : i32
        %shift_right_logical3A_282 = arith.constant 21 : i32
        %shift_right_logical3A_283 = arith.shrui %squeeze3A_278, %shift_right_logical3A_282 : i32
        %lt3A_284 = arith.cmpi slt, %shift_right_logical3A_283, %add3A_4 : i32
        %and3A = arith.andi %eq3A_281, %lt3A_284 : i1
        %lt3A_285 = arith.cmpi slt, %while3A_275, %squeeze3A : i32
        %and3A_286 = arith.andi %lt3A_285, %and3A : i1
        scf.condition(%and3A_286) %while3A_275 : i32
      } do {
      ^bb0(%while3A_275: i32):
        %get3A = arith.index_cast %while3A_275 : i32 to index
        %get3A_276 = tpu.vector_load %arg7[%get3A] {strides = array<i32>} : memref<16512xi32, #tpu.memory_space<vmem>>, vector<16xi32>,
        %slice3A_277 = vector.extract_strided_slice %get3A_276 {offsets = [0], sizes = [1], strides = [1]} : vector<16xi32> to vector<1xi32>
        %squeeze3A_278 = vector.extract %slice3A_277[0] : i32 from vector<1xi32>
        %shift_right_logical3A_279 = arith.constant 14 : i32
        %shift_right_logical3A_280 = arith.shrui %squeeze3A_278, %shift_right_logical3A_279 : i32
        %mul3A_281 = arith.constant 4 : i32
        %mul3A_282 = arith.muli %mul3A_281, %mul3A_228 : i32
        %sub3A_283 = arith.constant 4 : i32
        %sub3A_284 = arith.subi %add3A_4, %sub3A_283 : i32
        %min3A_285 = arith.minsi %mul3A_282, %sub3A_284 : i32
        %mul3A_286 = arith.constant 128 : i32
        %mul3A_287 = arith.muli %min3A_285, %mul3A_286 : i32
        %sub3A_288 = arith.subi %shift_right_logical3A_280, %mul3A_287 : i32
        %and3A = arith.constant 16383 : i32
        %and3A_289 = arith.andi %squeeze3A_278, %and3A : i32
        %and3A_290 = arith.constant 7 : i32
        %and3A_291 = arith.andi %while3A_275, %and3A_290 : i32
        %ge3A = arith.constant 8 : i32
        %ge3A_292 = arith.cmpi sge, %while3A_275, %ge3A : i32
        %convert_element_type3A = arith.extui %ge3A_292 : i1 to i32
        %cond3A = arith.constant 0 : i32
        %cond3A_293 = arith.cmpi ne, %convert_element_type3A, %cond3A : i32
        scf.if %cond3A_293 {
          %dma_wait3A_306 = arith.constant 0 : i32
          %dma_wait3A_307 = arith.constant 0 : i32
          %dma_wait3A_308 = tpu.memref_slice %arg12[%dma_wait3A_306, %dma_wait3A_307] : memref<8x64xf32, #tpu.memory_space<vmem>> -> memref<1x64xf32, #tpu.memory_space<vmem>>
          %dma_wait3A_309 = arith.constant 0 : i32
          %dma_wait3A_310 = arith.constant 0 : i32
          %dma_wait3A_311 = tpu.memref_slice %arg5[%dma_wait3A_309, %dma_wait3A_310] : memref<16384x64xf32, #tpu.memory_space<hbm>> -> memref<1x64xf32, #tpu.memory_space<hbm>>
          %dma_wait3A_312 = arith.constant 0 : i32
          %dma_wait3A_313 = arith.constant 0 : i32
          %dma_wait3A_314 = tpu.memref_slice %arg12[%dma_wait3A_312, %dma_wait3A_313] : memref<8x64xf32, #tpu.memory_space<vmem>> -> memref<1x64xf32, #tpu.memory_space<vmem>>
          %dma_wait3A_315 = arith.constant 0 : i32
          %dma_wait3A_316 = arith.constant 0 : i32
          %dma_wait3A_317 = tpu.memref_slice %arg5[%dma_wait3A_315, %dma_wait3A_316] : memref<16384x64xf32, #tpu.memory_space<hbm>> -> memref<1x64xf32, #tpu.memory_space<hbm>>
          tpu.wait_dma2 semaphore(%arg15 : memref<!tpu.dma_semaphore, #tpu.memory_space<semaphore_mem>>) src(%dma_wait3A_317 : memref<1x64xf32, #tpu.memory_space<hbm>>) dst(%dma_wait3A_314 : memref<1x64xf32, #tpu.memory_space<vmem>>)
        } else {
        }
        %broadcast_in_dim3A_294 = vector.broadcast %sub3A_288 : i32 to vector<16xi32>
        %broadcast_in_dim3A_295 = vector.broadcast %and3A_291 : i32 to vector<16xi32>
        %dma_start3A_296 = arith.constant 0 : i32
        %dma_start3A_297 = tpu.memref_slice %arg12[%and3A_291, %dma_start3A_296] : memref<8x64xf32, #tpu.memory_space<vmem>> -> memref<1x64xf32, #tpu.memory_space<vmem>>
        %dma_start3A_298 = arith.constant 0 : i32
        %dma_start3A_299 = tpu.memref_slice %arg5[%and3A_289, %dma_start3A_298] : memref<16384x64xf32, #tpu.memory_space<hbm>> -> memref<1x64xf32, #tpu.memory_space<hbm>>
        %dma_start3A_300 = arith.constant 0 : i32
        %dma_start3A_301 = tpu.memref_slice %arg5[%and3A_289, %dma_start3A_300] : memref<16384x64xf32, #tpu.memory_space<hbm>> -> memref<1x64xf32, #tpu.memory_space<hbm>>
        %dma_start3A_302 = arith.constant 0 : i32
        %dma_start3A_303 = tpu.memref_slice %arg12[%and3A_291, %dma_start3A_302] : memref<8x64xf32, #tpu.memory_space<vmem>> -> memref<1x64xf32, #tpu.memory_space<vmem>>
        tpu.enqueue_dma source(%dma_start3A_303 : memref<1x64xf32, #tpu.memory_space<vmem>>) target(%dma_start3A_301 : memref<1x64xf32, #tpu.memory_space<hbm>>) target_semaphore(%arg15 : memref<!tpu.dma_semaphore, #tpu.memory_space<semaphore_mem>>)
        %add3A_304 = arith.constant 1 : i32
        %add3A_305 = arith.addi %while3A_275, %add3A_304 : i32
        scf.yield %add3A_305 : i32
      }
      %add3A_236 = arith.constant 2 : i32
      %add3A_237 = arith.addi %mul3A_228, %add3A_236 : i32
      %mul3A_238 = arith.constant 4 : i32
      %mul3A_239 = arith.muli %mul3A_238, %add3A_237 : i32
      %sub3A_240 = arith.constant 4 : i32
      %sub3A_241 = arith.subi %add3A_4, %sub3A_240 : i32
      %min3A_242 = arith.minsi %mul3A_239, %sub3A_241 : i32
      %mul3A_243 = arith.constant 128 : i32
      %mul3A_244 = arith.muli %min3A_242, %mul3A_243 : i32
      %add3A_245 = arith.addi %mul3A_10, %mul3A_244 : i32
      %multiple_of3A_246 = tpu.assume_multiple %add3A_245, 128 : i32
      %dma_start3A_247 = arith.constant 0 : i32
      %dma_start3A_248 = tpu.memref_slice %arg2[%dma_start3A_247, %multiple_of3A_246] : memref<64x1000000xf32, #tpu.memory_space<hbm>> -> memref<64x512xf32, #tpu.memory_space<hbm>>
      %dma_start3A_249 = arith.constant 0 : i32
      %dma_start3A_250 = tpu.memref_slice %arg2[%dma_start3A_249, %multiple_of3A_246] : memref<64x1000000xf32, #tpu.memory_space<hbm>> -> memref<64x512xf32, #tpu.memory_space<hbm>>
      tpu.enqueue_dma source(%dma_start3A_250 : memref<64x512xf32, #tpu.memory_space<hbm>>) target(%arg9 : memref<64x512xf32, #tpu.memory_space<vmem>>) target_semaphore(%arg13 : memref<!tpu.dma_semaphore, #tpu.memory_space<semaphore_mem>>)
      %dma_wait3A_251 = arith.constant 0 : i32
      %dma_wait3A_252 = arith.constant 0 : i32
      %dma_wait3A_253 = tpu.memref_slice %arg2[%dma_wait3A_251, %dma_wait3A_252] : memref<64x1000000xf32, #tpu.memory_space<hbm>> -> memref<64x512xf32, #tpu.memory_space<hbm>>
      %dma_wait3A_254 = arith.constant 0 : i32
      %dma_wait3A_255 = arith.constant 0 : i32
      %dma_wait3A_256 = tpu.memref_slice %arg2[%dma_wait3A_254, %dma_wait3A_255] : memref<64x1000000xf32, #tpu.memory_space<hbm>> -> memref<64x512xf32, #tpu.memory_space<hbm>>
      tpu.wait_dma2 semaphore(%arg14 : memref<!tpu.dma_semaphore, #tpu.memory_space<semaphore_mem>>) src(%dma_wait3A_256 : memref<64x512xf32, #tpu.memory_space<hbm>>) dst(%arg10 : memref<64x512xf32, #tpu.memory_space<vmem>>)
      %add3A_257 = arith.constant 1 : i32
      %add3A_258 = arith.addi %mul3A_228, %add3A_257 : i32
      %while3A_259 = scf.while (%while3A_275 = %while3A_235) : (i32) -> i32 {
        %get3A = arith.index_cast %while3A_275 : i32 to index
        %get3A_276 = tpu.vector_load %arg7[%get3A] {strides = array<i32>} : memref<16512xi32, #tpu.memory_space<vmem>>, vector<16xi32>,
        %slice3A_277 = vector.extract_strided_slice %get3A_276 {offsets = [0], sizes = [1], strides = [1]} : vector<16xi32> to vector<1xi32>
        %squeeze3A_278 = vector.extract %slice3A_277[0] : i32 from vector<1xi32>
        %shift_right_logical3A_279 = arith.constant 23 : i32
        %shift_right_logical3A_280 = arith.shrui %squeeze3A_278, %shift_right_logical3A_279 : i32
        %eq3A_281 = arith.cmpi eq, %shift_right_logical3A_280, %add3A_258 : i32
        %shift_right_logical3A_282 = arith.constant 21 : i32
        %shift_right_logical3A_283 = arith.shrui %squeeze3A_278, %shift_right_logical3A_282 : i32
        %lt3A_284 = arith.cmpi slt, %shift_right_logical3A_283, %add3A_4 : i32
        %and3A = arith.andi %eq3A_281, %lt3A_284 : i1
        %lt3A_285 = arith.cmpi slt, %while3A_275, %squeeze3A : i32
        %and3A_286 = arith.andi %lt3A_285, %and3A : i1
        scf.condition(%and3A_286) %while3A_275 : i32
      } do {
      ^bb0(%while3A_275: i32):
        %get3A = arith.index_cast %while3A_275 : i32 to index
        %get3A_276 = tpu.vector_load %arg7[%get3A] {strides = array<i32>} : memref<16512xi32, #tpu.memory_space<vmem>>, vector<16xi32>,
        %slice3A_277 = vector.extract_strided_slice %get3A_276 {offsets = [0], sizes = [1], strides = [1]} : vector<16xi32> to vector<1xi32>
        %squeeze3A_278 = vector.extract %slice3A_277[0] : i32 from vector<1xi32>
        %shift_right_logical3A_279 = arith.constant 14 : i32
        %shift_right_logical3A_280 = arith.shrui %squeeze3A_278, %shift_right_logical3A_279 : i32
        %mul3A_281 = arith.constant 4 : i32
        %mul3A_282 = arith.muli %mul3A_281, %add3A_258 : i32
        %sub3A_283 = arith.constant 4 : i32
        %sub3A_284 = arith.subi %add3A_4, %sub3A_283 : i32
        %min3A_285 = arith.minsi %mul3A_282, %sub3A_284 : i32
        %mul3A_286 = arith.constant 128 : i32
        %mul3A_287 = arith.muli %min3A_285, %mul3A_286 : i32
        %sub3A_288 = arith.subi %shift_right_logical3A_280, %mul3A_287 : i32
        %and3A = arith.constant 16383 : i32
        %and3A_289 = arith.andi %squeeze3A_278, %and3A : i32
        %and3A_290 = arith.constant 7 : i32
        %and3A_291 = arith.andi %while3A_275, %and3A_290 : i32
        %ge3A = arith.constant 8 : i32
        %ge3A_292 = arith.cmpi sge, %while3A_275, %ge3A : i32
        %convert_element_type3A = arith.extui %ge3A_292 : i1 to i32
        %cond3A = arith.constant 0 : i32
        %cond3A_293 = arith.cmpi ne, %convert_element_type3A, %cond3A : i32
        scf.if %cond3A_293 {
          %dma_wait3A_306 = arith.constant 0 : i32
          %dma_wait3A_307 = arith.constant 0 : i32
          %dma_wait3A_308 = tpu.memref_slice %arg12[%dma_wait3A_306, %dma_wait3A_307] : memref<8x64xf32, #tpu.memory_space<vmem>> -> memref<1x64xf32, #tpu.memory_space<vmem>>
          %dma_wait3A_309 = arith.constant 0 : i32
          %dma_wait3A_310 = arith.constant 0 : i32
          %dma_wait3A_311 = tpu.memref_slice %arg5[%dma_wait3A_309, %dma_wait3A_310] : memref<16384x64xf32, #tpu.memory_space<hbm>> -> memref<1x64xf32, #tpu.memory_space<hbm>>
          %dma_wait3A_312 = arith.constant 0 : i32
          %dma_wait3A_313 = arith.constant 0 : i32
          %dma_wait3A_314 = tpu.memref_slice %arg12[%dma_wait3A_312, %dma_wait3A_313] : memref<8x64xf32, #tpu.memory_space<vmem>> -> memref<1x64xf32, #tpu.memory_space<vmem>>
          %dma_wait3A_315 = arith.constant 0 : i32
          %dma_wait3A_316 = arith.constant 0 : i32
          %dma_wait3A_317 = tpu.memref_slice %arg5[%dma_wait3A_315, %dma_wait3A_316] : memref<16384x64xf32, #tpu.memory_space<hbm>> -> memref<1x64xf32, #tpu.memory_space<hbm>>
          tpu.wait_dma2 semaphore(%arg15 : memref<!tpu.dma_semaphore, #tpu.memory_space<semaphore_mem>>) src(%dma_wait3A_317 : memref<1x64xf32, #tpu.memory_space<hbm>>) dst(%dma_wait3A_314 : memref<1x64xf32, #tpu.memory_space<vmem>>)
        } else {
        }
        %broadcast_in_dim3A_294 = vector.broadcast %sub3A_288 : i32 to vector<16xi32>
        %broadcast_in_dim3A_295 = vector.broadcast %and3A_291 : i32 to vector<16xi32>
        %dma_start3A_296 = arith.constant 0 : i32
        %dma_start3A_297 = tpu.memref_slice %arg12[%and3A_291, %dma_start3A_296] : memref<8x64xf32, #tpu.memory_space<vmem>> -> memref<1x64xf32, #tpu.memory_space<vmem>>
        %dma_start3A_298 = arith.constant 0 : i32
        %dma_start3A_299 = tpu.memref_slice %arg5[%and3A_289, %dma_start3A_298] : memref<16384x64xf32, #tpu.memory_space<hbm>> -> memref<1x64xf32, #tpu.memory_space<hbm>>
        %dma_start3A_300 = arith.constant 0 : i32
        %dma_start3A_301 = tpu.memref_slice %arg5[%and3A_289, %dma_start3A_300] : memref<16384x64xf32, #tpu.memory_space<hbm>> -> memref<1x64xf32, #tpu.memory_space<hbm>>
        %dma_start3A_302 = arith.constant 0 : i32
        %dma_start3A_303 = tpu.memref_slice %arg12[%and3A_291, %dma_start3A_302] : memref<8x64xf32, #tpu.memory_space<vmem>> -> memref<1x64xf32, #tpu.memory_space<vmem>>
        tpu.enqueue_dma source(%dma_start3A_303 : memref<1x64xf32, #tpu.memory_space<vmem>>) target(%dma_start3A_301 : memref<1x64xf32, #tpu.memory_space<hbm>>) target_semaphore(%arg15 : memref<!tpu.dma_semaphore, #tpu.memory_space<semaphore_mem>>)
        %add3A_304 = arith.constant 1 : i32
        %add3A_305 = arith.addi %while3A_275, %add3A_304 : i32
        scf.yield %add3A_305 : i32
      }
      %add3A_260 = arith.constant 3 : i32
      %add3A_261 = arith.addi %mul3A_228, %add3A_260 : i32
      %mul3A_262 = arith.constant 4 : i32
      %mul3A_263 = arith.muli %mul3A_262, %add3A_261 : i32
      %sub3A_264 = arith.constant 4 : i32
      %sub3A_265 = arith.subi %add3A_4, %sub3A_264 : i32
      %min3A_266 = arith.minsi %mul3A_263, %sub3A_265 : i32
      %mul3A_267 = arith.constant 128 : i32
      %mul3A_268 = arith.muli %min3A_266, %mul3A_267 : i32
      %add3A_269 = arith.addi %mul3A_10, %mul3A_268 : i32
      %multiple_of3A_270 = tpu.assume_multiple %add3A_269, 128 : i32
      %dma_start3A_271 = arith.constant 0 : i32
      %dma_start3A_272 = tpu.memref_slice %arg2[%dma_start3A_271, %multiple_of3A_270] : memref<64x1000000xf32, #tpu.memory_space<hbm>> -> memref<64x512xf32, #tpu.memory_space<hbm>>
      %dma_start3A_273 = arith.constant 0 : i32
      %dma_start3A_274 = tpu.memref_slice %arg2[%dma_start3A_273, %multiple_of3A_270] : memref<64x1000000xf32, #tpu.memory_space<hbm>> -> memref<64x512xf32, #tpu.memory_space<hbm>>
      tpu.enqueue_dma source(%dma_start3A_274 : memref<64x512xf32, #tpu.memory_space<hbm>>) target(%arg10 : memref<64x512xf32, #tpu.memory_space<vmem>>) target_semaphore(%arg14 : memref<!tpu.dma_semaphore, #tpu.memory_space<semaphore_mem>>)
      scf.yield %while3A_259 : i32
    }
    %while3A_199 = arith.constant 1 : i32
    %while3A_200 = scf.for %while3A_225 = %while3A_196 to %while3A_192 step %while3A_199 iter_args(%while3A_226 = %while3A_198) -> (i32)  : i32 {
      %mul3A_227 = arith.constant 2 : i32
      %mul3A_228 = arith.muli %mul3A_227, %while3A_225 : i32
      %dma_wait3A_229 = arith.constant 0 : i32
      %dma_wait3A_230 = arith.constant 0 : i32
      %dma_wait3A_231 = tpu.memref_slice %arg2[%dma_wait3A_229, %dma_wait3A_230] : memref<64x1000000xf32, #tpu.memory_space<hbm>> -> memref<64x512xf32, #tpu.memory_space<hbm>>
      %dma_wait3A_232 = arith.constant 0 : i32
      %dma_wait3A_233 = arith.constant 0 : i32
      %dma_wait3A_234 = tpu.memref_slice %arg2[%dma_wait3A_232, %dma_wait3A_233] : memref<64x1000000xf32, #tpu.memory_space<hbm>> -> memref<64x512xf32, #tpu.memory_space<hbm>>
      tpu.wait_dma2 semaphore(%arg13 : memref<!tpu.dma_semaphore, #tpu.memory_space<semaphore_mem>>) src(%dma_wait3A_234 : memref<64x512xf32, #tpu.memory_space<hbm>>) dst(%arg9 : memref<64x512xf32, #tpu.memory_space<vmem>>)
      %while3A_235 = scf.while (%while3A_275 = %while3A_226) : (i32) -> i32 {
        %get3A = arith.index_cast %while3A_275 : i32 to index
        %get3A_276 = tpu.vector_load %arg7[%get3A] {strides = array<i32>} : memref<16512xi32, #tpu.memory_space<vmem>>, vector<16xi32>,
        %slice3A_277 = vector.extract_strided_slice %get3A_276 {offsets = [0], sizes = [1], strides = [1]} : vector<16xi32> to vector<1xi32>
        %squeeze3A_278 = vector.extract %slice3A_277[0] : i32 from vector<1xi32>
        %shift_right_logical3A_279 = arith.constant 23 : i32
        %shift_right_logical3A_280 = arith.shrui %squeeze3A_278, %shift_right_logical3A_279 : i32
        %eq3A_281 = arith.cmpi eq, %shift_right_logical3A_280, %mul3A_228 : i32
        %shift_right_logical3A_282 = arith.constant 21 : i32
        %shift_right_logical3A_283 = arith.shrui %squeeze3A_278, %shift_right_logical3A_282 : i32
        %lt3A_284 = arith.cmpi slt, %shift_right_logical3A_283, %add3A_4 : i32
        %and3A = arith.andi %eq3A_281, %lt3A_284 : i1
        %lt3A_285 = arith.cmpi slt, %while3A_275, %squeeze3A : i32
        %and3A_286 = arith.andi %lt3A_285, %and3A : i1
        scf.condition(%and3A_286) %while3A_275 : i32
      } do {
      ^bb0(%while3A_275: i32):
        %get3A = arith.index_cast %while3A_275 : i32 to index
        %get3A_276 = tpu.vector_load %arg7[%get3A] {strides = array<i32>} : memref<16512xi32, #tpu.memory_space<vmem>>, vector<16xi32>,
        %slice3A_277 = vector.extract_strided_slice %get3A_276 {offsets = [0], sizes = [1], strides = [1]} : vector<16xi32> to vector<1xi32>
        %squeeze3A_278 = vector.extract %slice3A_277[0] : i32 from vector<1xi32>
        %shift_right_logical3A_279 = arith.constant 14 : i32
        %shift_right_logical3A_280 = arith.shrui %squeeze3A_278, %shift_right_logical3A_279 : i32
        %mul3A_281 = arith.constant 4 : i32
        %mul3A_282 = arith.muli %mul3A_281, %mul3A_228 : i32
        %sub3A_283 = arith.constant 4 : i32
        %sub3A_284 = arith.subi %add3A_4, %sub3A_283 : i32
        %min3A_285 = arith.minsi %mul3A_282, %sub3A_284 : i32
        %mul3A_286 = arith.constant 128 : i32
        %mul3A_287 = arith.muli %min3A_285, %mul3A_286 : i32
        %sub3A_288 = arith.subi %shift_right_logical3A_280, %mul3A_287 : i32
        %and3A = arith.constant 16383 : i32
        %and3A_289 = arith.andi %squeeze3A_278, %and3A : i32
        %and3A_290 = arith.constant 7 : i32
        %and3A_291 = arith.andi %while3A_275, %and3A_290 : i32
        %ge3A = arith.constant 8 : i32
        %ge3A_292 = arith.cmpi sge, %while3A_275, %ge3A : i32
        %convert_element_type3A = arith.extui %ge3A_292 : i1 to i32
        %cond3A = arith.constant 0 : i32
        %cond3A_293 = arith.cmpi ne, %convert_element_type3A, %cond3A : i32
        scf.if %cond3A_293 {
          %dma_wait3A_306 = arith.constant 0 : i32
          %dma_wait3A_307 = arith.constant 0 : i32
          %dma_wait3A_308 = tpu.memref_slice %arg12[%dma_wait3A_306, %dma_wait3A_307] : memref<8x64xf32, #tpu.memory_space<vmem>> -> memref<1x64xf32, #tpu.memory_space<vmem>>
          %dma_wait3A_309 = arith.constant 0 : i32
          %dma_wait3A_310 = arith.constant 0 : i32
          %dma_wait3A_311 = tpu.memref_slice %arg5[%dma_wait3A_309, %dma_wait3A_310] : memref<16384x64xf32, #tpu.memory_space<hbm>> -> memref<1x64xf32, #tpu.memory_space<hbm>>
          %dma_wait3A_312 = arith.constant 0 : i32
          %dma_wait3A_313 = arith.constant 0 : i32
          %dma_wait3A_314 = tpu.memref_slice %arg12[%dma_wait3A_312, %dma_wait3A_313] : memref<8x64xf32, #tpu.memory_space<vmem>> -> memref<1x64xf32, #tpu.memory_space<vmem>>
          %dma_wait3A_315 = arith.constant 0 : i32
          %dma_wait3A_316 = arith.constant 0 : i32
          %dma_wait3A_317 = tpu.memref_slice %arg5[%dma_wait3A_315, %dma_wait3A_316] : memref<16384x64xf32, #tpu.memory_space<hbm>> -> memref<1x64xf32, #tpu.memory_space<hbm>>
          tpu.wait_dma2 semaphore(%arg15 : memref<!tpu.dma_semaphore, #tpu.memory_space<semaphore_mem>>) src(%dma_wait3A_317 : memref<1x64xf32, #tpu.memory_space<hbm>>) dst(%dma_wait3A_314 : memref<1x64xf32, #tpu.memory_space<vmem>>)
        } else {
        }
        %broadcast_in_dim3A_294 = vector.broadcast %sub3A_288 : i32 to vector<16xi32>
        %broadcast_in_dim3A_295 = vector.broadcast %and3A_291 : i32 to vector<16xi32>
        %dma_start3A_296 = arith.constant 0 : i32
        %dma_start3A_297 = tpu.memref_slice %arg12[%and3A_291, %dma_start3A_296] : memref<8x64xf32, #tpu.memory_space<vmem>> -> memref<1x64xf32, #tpu.memory_space<vmem>>
        %dma_start3A_298 = arith.constant 0 : i32
        %dma_start3A_299 = tpu.memref_slice %arg5[%and3A_289, %dma_start3A_298] : memref<16384x64xf32, #tpu.memory_space<hbm>> -> memref<1x64xf32, #tpu.memory_space<hbm>>
        %dma_start3A_300 = arith.constant 0 : i32
        %dma_start3A_301 = tpu.memref_slice %arg5[%and3A_289, %dma_start3A_300] : memref<16384x64xf32, #tpu.memory_space<hbm>> -> memref<1x64xf32, #tpu.memory_space<hbm>>
        %dma_start3A_302 = arith.constant 0 : i32
        %dma_start3A_303 = tpu.memref_slice %arg12[%and3A_291, %dma_start3A_302] : memref<8x64xf32, #tpu.memory_space<vmem>> -> memref<1x64xf32, #tpu.memory_space<vmem>>
        tpu.enqueue_dma source(%dma_start3A_303 : memref<1x64xf32, #tpu.memory_space<vmem>>) target(%dma_start3A_301 : memref<1x64xf32, #tpu.memory_space<hbm>>) target_semaphore(%arg15 : memref<!tpu.dma_semaphore, #tpu.memory_space<semaphore_mem>>)
        %add3A_304 = arith.constant 1 : i32
        %add3A_305 = arith.addi %while3A_275, %add3A_304 : i32
        scf.yield %add3A_305 : i32
      }
      %add3A_236 = arith.constant 2 : i32
      %add3A_237 = arith.addi %mul3A_228, %add3A_236 : i32
      %mul3A_238 = arith.constant 4 : i32
      %mul3A_239 = arith.muli %mul3A_238, %add3A_237 : i32
      %sub3A_240 = arith.constant 4 : i32
      %sub3A_241 = arith.subi %add3A_4, %sub3A_240 : i32
      %min3A_242 = arith.minsi %mul3A_239, %sub3A_241 : i32
      %mul3A_243 = arith.constant 128 : i32
      %mul3A_244 = arith.muli %min3A_242, %mul3A_243 : i32
      %add3A_245 = arith.addi %mul3A_10, %mul3A_244 : i32
      %multiple_of3A_246 = tpu.assume_multiple %add3A_245, 128 : i32
      %dma_start3A_247 = arith.constant 0 : i32
      %dma_start3A_248 = tpu.memref_slice %arg2[%dma_start3A_247, %multiple_of3A_246] : memref<64x1000000xf32, #tpu.memory_space<hbm>> -> memref<64x512xf32, #tpu.memory_space<hbm>>
      %dma_start3A_249 = arith.constant 0 : i32
      %dma_start3A_250 = tpu.memref_slice %arg2[%dma_start3A_249, %multiple_of3A_246] : memref<64x1000000xf32, #tpu.memory_space<hbm>> -> memref<64x512xf32, #tpu.memory_space<hbm>>
      tpu.enqueue_dma source(%dma_start3A_250 : memref<64x512xf32, #tpu.memory_space<hbm>>) target(%arg9 : memref<64x512xf32, #tpu.memory_space<vmem>>) target_semaphore(%arg13 : memref<!tpu.dma_semaphore, #tpu.memory_space<semaphore_mem>>)
      %dma_wait3A_251 = arith.constant 0 : i32
      %dma_wait3A_252 = arith.constant 0 : i32
      %dma_wait3A_253 = tpu.memref_slice %arg2[%dma_wait3A_251, %dma_wait3A_252] : memref<64x1000000xf32, #tpu.memory_space<hbm>> -> memref<64x512xf32, #tpu.memory_space<hbm>>
      %dma_wait3A_254 = arith.constant 0 : i32
      %dma_wait3A_255 = arith.constant 0 : i32
      %dma_wait3A_256 = tpu.memref_slice %arg2[%dma_wait3A_254, %dma_wait3A_255] : memref<64x1000000xf32, #tpu.memory_space<hbm>> -> memref<64x512xf32, #tpu.memory_space<hbm>>
      tpu.wait_dma2 semaphore(%arg14 : memref<!tpu.dma_semaphore, #tpu.memory_space<semaphore_mem>>) src(%dma_wait3A_256 : memref<64x512xf32, #tpu.memory_space<hbm>>) dst(%arg10 : memref<64x512xf32, #tpu.memory_space<vmem>>)
      %add3A_257 = arith.constant 1 : i32
      %add3A_258 = arith.addi %mul3A_228, %add3A_257 : i32
      %while3A_259 = scf.while (%while3A_275 = %while3A_235) : (i32) -> i32 {
        %get3A = arith.index_cast %while3A_275 : i32 to index
        %get3A_276 = tpu.vector_load %arg7[%get3A] {strides = array<i32>} : memref<16512xi32, #tpu.memory_space<vmem>>, vector<16xi32>,
        %slice3A_277 = vector.extract_strided_slice %get3A_276 {offsets = [0], sizes = [1], strides = [1]} : vector<16xi32> to vector<1xi32>
        %squeeze3A_278 = vector.extract %slice3A_277[0] : i32 from vector<1xi32>
        %shift_right_logical3A_279 = arith.constant 23 : i32
        %shift_right_logical3A_280 = arith.shrui %squeeze3A_278, %shift_right_logical3A_279 : i32
        %eq3A_281 = arith.cmpi eq, %shift_right_logical3A_280, %add3A_258 : i32
        %shift_right_logical3A_282 = arith.constant 21 : i32
        %shift_right_logical3A_283 = arith.shrui %squeeze3A_278, %shift_right_logical3A_282 : i32
        %lt3A_284 = arith.cmpi slt, %shift_right_logical3A_283, %add3A_4 : i32
        %and3A = arith.andi %eq3A_281, %lt3A_284 : i1
        %lt3A_285 = arith.cmpi slt, %while3A_275, %squeeze3A : i32
        %and3A_286 = arith.andi %lt3A_285, %and3A : i1
        scf.condition(%and3A_286) %while3A_275 : i32
      } do {
      ^bb0(%while3A_275: i32):
        %get3A = arith.index_cast %while3A_275 : i32 to index
        %get3A_276 = tpu.vector_load %arg7[%get3A] {strides = array<i32>} : memref<16512xi32, #tpu.memory_space<vmem>>, vector<16xi32>,
        %slice3A_277 = vector.extract_strided_slice %get3A_276 {offsets = [0], sizes = [1], strides = [1]} : vector<16xi32> to vector<1xi32>
        %squeeze3A_278 = vector.extract %slice3A_277[0] : i32 from vector<1xi32>
        %shift_right_logical3A_279 = arith.constant 14 : i32
        %shift_right_logical3A_280 = arith.shrui %squeeze3A_278, %shift_right_logical3A_279 : i32
        %mul3A_281 = arith.constant 4 : i32
        %mul3A_282 = arith.muli %mul3A_281, %add3A_258 : i32
        %sub3A_283 = arith.constant 4 : i32
        %sub3A_284 = arith.subi %add3A_4, %sub3A_283 : i32
        %min3A_285 = arith.minsi %mul3A_282, %sub3A_284 : i32
        %mul3A_286 = arith.constant 128 : i32
        %mul3A_287 = arith.muli %min3A_285, %mul3A_286 : i32
        %sub3A_288 = arith.subi %shift_right_logical3A_280, %mul3A_287 : i32
        %and3A = arith.constant 16383 : i32
        %and3A_289 = arith.andi %squeeze3A_278, %and3A : i32
        %and3A_290 = arith.constant 7 : i32
        %and3A_291 = arith.andi %while3A_275, %and3A_290 : i32
        %ge3A = arith.constant 8 : i32
        %ge3A_292 = arith.cmpi sge, %while3A_275, %ge3A : i32
        %convert_element_type3A = arith.extui %ge3A_292 : i1 to i32
        %cond3A = arith.constant 0 : i32
        %cond3A_293 = arith.cmpi ne, %convert_element_type3A, %cond3A : i32
        scf.if %cond3A_293 {
          %dma_wait3A_306 = arith.constant 0 : i32
          %dma_wait3A_307 = arith.constant 0 : i32
          %dma_wait3A_308 = tpu.memref_slice %arg12[%dma_wait3A_306, %dma_wait3A_307] : memref<8x64xf32, #tpu.memory_space<vmem>> -> memref<1x64xf32, #tpu.memory_space<vmem>>
          %dma_wait3A_309 = arith.constant 0 : i32
          %dma_wait3A_310 = arith.constant 0 : i32
          %dma_wait3A_311 = tpu.memref_slice %arg5[%dma_wait3A_309, %dma_wait3A_310] : memref<16384x64xf32, #tpu.memory_space<hbm>> -> memref<1x64xf32, #tpu.memory_space<hbm>>
          %dma_wait3A_312 = arith.constant 0 : i32
          %dma_wait3A_313 = arith.constant 0 : i32
          %dma_wait3A_314 = tpu.memref_slice %arg12[%dma_wait3A_312, %dma_wait3A_313] : memref<8x64xf32, #tpu.memory_space<vmem>> -> memref<1x64xf32, #tpu.memory_space<vmem>>
          %dma_wait3A_315 = arith.constant 0 : i32
          %dma_wait3A_316 = arith.constant 0 : i32
          %dma_wait3A_317 = tpu.memref_slice %arg5[%dma_wait3A_315, %dma_wait3A_316] : memref<16384x64xf32, #tpu.memory_space<hbm>> -> memref<1x64xf32, #tpu.memory_space<hbm>>
          tpu.wait_dma2 semaphore(%arg15 : memref<!tpu.dma_semaphore, #tpu.memory_space<semaphore_mem>>) src(%dma_wait3A_317 : memref<1x64xf32, #tpu.memory_space<hbm>>) dst(%dma_wait3A_314 : memref<1x64xf32, #tpu.memory_space<vmem>>)
        } else {
        }
        %broadcast_in_dim3A_294 = vector.broadcast %sub3A_288 : i32 to vector<16xi32>
        %broadcast_in_dim3A_295 = vector.broadcast %and3A_291 : i32 to vector<16xi32>
        %dma_start3A_296 = arith.constant 0 : i32
        %dma_start3A_297 = tpu.memref_slice %arg12[%and3A_291, %dma_start3A_296] : memref<8x64xf32, #tpu.memory_space<vmem>> -> memref<1x64xf32, #tpu.memory_space<vmem>>
        %dma_start3A_298 = arith.constant 0 : i32
        %dma_start3A_299 = tpu.memref_slice %arg5[%and3A_289, %dma_start3A_298] : memref<16384x64xf32, #tpu.memory_space<hbm>> -> memref<1x64xf32, #tpu.memory_space<hbm>>
        %dma_start3A_300 = arith.constant 0 : i32
        %dma_start3A_301 = tpu.memref_slice %arg5[%and3A_289, %dma_start3A_300] : memref<16384x64xf32, #tpu.memory_space<hbm>> -> memref<1x64xf32, #tpu.memory_space<hbm>>
        %dma_start3A_302 = arith.constant 0 : i32
        %dma_start3A_303 = tpu.memref_slice %arg12[%and3A_291, %dma_start3A_302] : memref<8x64xf32, #tpu.memory_space<vmem>> -> memref<1x64xf32, #tpu.memory_space<vmem>>
        tpu.enqueue_dma source(%dma_start3A_303 : memref<1x64xf32, #tpu.memory_space<vmem>>) target(%dma_start3A_301 : memref<1x64xf32, #tpu.memory_space<hbm>>) target_semaphore(%arg15 : memref<!tpu.dma_semaphore, #tpu.memory_space<semaphore_mem>>)
        %add3A_304 = arith.constant 1 : i32
        %add3A_305 = arith.addi %while3A_275, %add3A_304 : i32
        scf.yield %add3A_305 : i32
      }
      %add3A_260 = arith.constant 3 : i32
      %add3A_261 = arith.addi %mul3A_228, %add3A_260 : i32
      %mul3A_262 = arith.constant 4 : i32
      %mul3A_263 = arith.muli %mul3A_262, %add3A_261 : i32
      %sub3A_264 = arith.constant 4 : i32
      %sub3A_265 = arith.subi %add3A_4, %sub3A_264 : i32
      %min3A_266 = arith.minsi %mul3A_263, %sub3A_265 : i32
      %mul3A_267 = arith.constant 128 : i32
      %mul3A_268 = arith.muli %min3A_266, %mul3A_267 : i32
      %add3A_269 = arith.addi %mul3A_10, %mul3A_268 : i32
      %multiple_of3A_270 = tpu.assume_multiple %add3A_269, 128 : i32
      %dma_start3A_271 = arith.constant 0 : i32
      %dma_start3A_272 = tpu.memref_slice %arg2[%dma_start3A_271, %multiple_of3A_270] : memref<64x1000000xf32, #tpu.memory_space<hbm>> -> memref<64x512xf32, #tpu.memory_space<hbm>>
      %dma_start3A_273 = arith.constant 0 : i32
      %dma_start3A_274 = tpu.memref_slice %arg2[%dma_start3A_273, %multiple_of3A_270] : memref<64x1000000xf32, #tpu.memory_space<hbm>> -> memref<64x512xf32, #tpu.memory_space<hbm>>
      tpu.enqueue_dma source(%dma_start3A_274 : memref<64x512xf32, #tpu.memory_space<hbm>>) target(%arg10 : memref<64x512xf32, #tpu.memory_space<vmem>>) target_semaphore(%arg14 : memref<!tpu.dma_semaphore, #tpu.memory_space<semaphore_mem>>)
      scf.yield %while3A_259 : i32
    }
    %dma_wait3A = arith.constant 0 : i32
    %dma_wait3A_201 = arith.constant 0 : i32
    %dma_wait3A_202 = tpu.memref_slice %arg2[%dma_wait3A, %dma_wait3A_201] : memref<64x1000000xf32, #tpu.memory_space<hbm>> -> memref<64x512xf32, #tpu.memory_space<hbm>>
    %dma_wait3A_203 = arith.constant 0 : i32
    %dma_wait3A_204 = arith.constant 0 : i32
    %dma_wait3A_205 = tpu.memref_slice %arg2[%dma_wait3A_203, %dma_wait3A_204] : memref<64x1000000xf32, #tpu.memory_space<hbm>> -> memref<64x512xf32, #tpu.memory_space<hbm>>
    tpu.wait_dma2 semaphore(%arg13 : memref<!tpu.dma_semaphore, #tpu.memory_space<semaphore_mem>>) src(%dma_wait3A_205 : memref<64x512xf32, #tpu.memory_space<hbm>>) dst(%arg9 : memref<64x512xf32, #tpu.memory_space<vmem>>)
    %dma_wait3A_206 = arith.constant 0 : i32
    %dma_wait3A_207 = arith.constant 0 : i32
    %dma_wait3A_208 = tpu.memref_slice %arg2[%dma_wait3A_206, %dma_wait3A_207] : memref<64x1000000xf32, #tpu.memory_space<hbm>> -> memref<64x512xf32, #tpu.memory_space<hbm>>
    %dma_wait3A_209 = arith.constant 0 : i32
    %dma_wait3A_210 = arith.constant 0 : i32
    %dma_wait3A_211 = tpu.memref_slice %arg2[%dma_wait3A_209, %dma_wait3A_210] : memref<64x1000000xf32, #tpu.memory_space<hbm>> -> memref<64x512xf32, #tpu.memory_space<hbm>>
    tpu.wait_dma2 semaphore(%arg14 : memref<!tpu.dma_semaphore, #tpu.memory_space<semaphore_mem>>) src(%dma_wait3A_211 : memref<64x512xf32, #tpu.memory_space<hbm>>) dst(%arg10 : memref<64x512xf32, #tpu.memory_space<vmem>>)
    %while3A_212 = scf.while (%while3A_225 = %while3A_200) : (i32) -> i32 {
      %get3A = arith.index_cast %while3A_225 : i32 to index
      %get3A_226 = tpu.vector_load %arg7[%get3A] {strides = array<i32>} : memref<16512xi32, #tpu.memory_space<vmem>>, vector<16xi32>,
      %slice3A_227 = vector.extract_strided_slice %get3A_226 {offsets = [0], sizes = [1], strides = [1]} : vector<16xi32> to vector<1xi32>
      %squeeze3A_228 = vector.extract %slice3A_227[0] : i32 from vector<1xi32>
      %shift_right_logical3A_229 = arith.constant 21 : i32
      %shift_right_logical3A_230 = arith.shrui %squeeze3A_228, %shift_right_logical3A_229 : i32
      %eq3A_231 = arith.cmpi eq, %shift_right_logical3A_230, %add3A_4 : i32
      %lt3A_232 = arith.cmpi slt, %while3A_225, %squeeze3A : i32
      %and3A = arith.andi %lt3A_232, %eq3A_231 : i1
      scf.condition(%and3A) %while3A_225 : i32
    } do {
    ^bb0(%while3A_225: i32):
      %get3A = arith.index_cast %while3A_225 : i32 to index
      %get3A_226 = tpu.vector_load %arg7[%get3A] {strides = array<i32>} : memref<16512xi32, #tpu.memory_space<vmem>>, vector<16xi32>,
      %slice3A_227 = vector.extract_strided_slice %get3A_226 {offsets = [0], sizes = [1], strides = [1]} : vector<16xi32> to vector<1xi32>
      %squeeze3A_228 = vector.extract %slice3A_227[0] : i32 from vector<1xi32>
      %shift_right_logical3A_229 = arith.constant 14 : i32
      %shift_right_logical3A_230 = arith.shrui %squeeze3A_228, %shift_right_logical3A_229 : i32
      %and3A = arith.constant 127 : i32
      %and3A_231 = arith.andi %shift_right_logical3A_230, %and3A : i32
      %and3A_232 = arith.constant 16383 : i32
      %and3A_233 = arith.andi %squeeze3A_228, %and3A_232 : i32
      %and3A_234 = arith.constant 7 : i32
      %and3A_235 = arith.andi %while3A_225, %and3A_234 : i32
      %ge3A = arith.constant 8 : i32
      %ge3A_236 = arith.cmpi sge, %while3A_225, %ge3A : i32
      %convert_element_type3A = arith.extui %ge3A_236 : i1 to i32
      %cond3A = arith.constant 0 : i32
      %cond3A_237 = arith.cmpi ne, %convert_element_type3A, %cond3A : i32
      scf.if %cond3A_237 {
        %dma_wait3A_250 = arith.constant 0 : i32
        %dma_wait3A_251 = arith.constant 0 : i32
        %dma_wait3A_252 = tpu.memref_slice %arg12[%dma_wait3A_250, %dma_wait3A_251] : memref<8x64xf32, #tpu.memory_space<vmem>> -> memref<1x64xf32, #tpu.memory_space<vmem>>
        %dma_wait3A_253 = arith.constant 0 : i32
        %dma_wait3A_254 = arith.constant 0 : i32
        %dma_wait3A_255 = tpu.memref_slice %arg5[%dma_wait3A_253, %dma_wait3A_254] : memref<16384x64xf32, #tpu.memory_space<hbm>> -> memref<1x64xf32, #tpu.memory_space<hbm>>
        %dma_wait3A_256 = arith.constant 0 : i32
        %dma_wait3A_257 = arith.constant 0 : i32
        %dma_wait3A_258 = tpu.memref_slice %arg12[%dma_wait3A_256, %dma_wait3A_257] : memref<8x64xf32, #tpu.memory_space<vmem>> -> memref<1x64xf32, #tpu.memory_space<vmem>>
        %dma_wait3A_259 = arith.constant 0 : i32
        %dma_wait3A_260 = arith.constant 0 : i32
        %dma_wait3A_261 = tpu.memref_slice %arg5[%dma_wait3A_259, %dma_wait3A_260] : memref<16384x64xf32, #tpu.memory_space<hbm>> -> memref<1x64xf32, #tpu.memory_space<hbm>>
        tpu.wait_dma2 semaphore(%arg15 : memref<!tpu.dma_semaphore, #tpu.memory_space<semaphore_mem>>) src(%dma_wait3A_261 : memref<1x64xf32, #tpu.memory_space<hbm>>) dst(%dma_wait3A_258 : memref<1x64xf32, #tpu.memory_space<vmem>>)
      } else {
      }
      %broadcast_in_dim3A_238 = vector.broadcast %and3A_231 : i32 to vector<16xi32>
      %broadcast_in_dim3A_239 = vector.broadcast %and3A_235 : i32 to vector<16xi32>
      %dma_start3A_240 = arith.constant 0 : i32
      %dma_start3A_241 = tpu.memref_slice %arg12[%and3A_235, %dma_start3A_240] : memref<8x64xf32, #tpu.memory_space<vmem>> -> memref<1x64xf32, #tpu.memory_space<vmem>>
      %dma_start3A_242 = arith.constant 0 : i32
      %dma_start3A_243 = tpu.memref_slice %arg5[%and3A_233, %dma_start3A_242] : memref<16384x64xf32, #tpu.memory_space<hbm>> -> memref<1x64xf32, #tpu.memory_space<hbm>>
      %dma_start3A_244 = arith.constant 0 : i32
      %dma_start3A_245 = tpu.memref_slice %arg5[%and3A_233, %dma_start3A_244] : memref<16384x64xf32, #tpu.memory_space<hbm>> -> memref<1x64xf32, #tpu.memory_space<hbm>>
      %dma_start3A_246 = arith.constant 0 : i32
      %dma_start3A_247 = tpu.memref_slice %arg12[%and3A_235, %dma_start3A_246] : memref<8x64xf32, #tpu.memory_space<vmem>> -> memref<1x64xf32, #tpu.memory_space<vmem>>
      tpu.enqueue_dma source(%dma_start3A_247 : memref<1x64xf32, #tpu.memory_space<vmem>>) target(%dma_start3A_245 : memref<1x64xf32, #tpu.memory_space<hbm>>) target_semaphore(%arg15 : memref<!tpu.dma_semaphore, #tpu.memory_space<semaphore_mem>>)
      %add3A_248 = arith.constant 1 : i32
      %add3A_249 = arith.addi %while3A_225, %add3A_248 : i32
      scf.yield %add3A_249 : i32
    }
    %min3A_213 = arith.constant 8 : i32
    %min3A_214 = arith.minsi %squeeze3A, %min3A_213 : i32
    %while3A_215 = arith.constant 0 : i32
    %while3A_216 = arith.constant 0 : i32
    %while3A_217 = arith.subi %min3A_214, %while3A_216 : i32
    %while3A_218 = arith.addi %while3A_216, %while3A_217 : i32
    %while3A_219 = arith.constant 1 : i32
    %while3A_220 = arith.divsi %while3A_217, %while3A_219 : i32
    %while3A_221 = arith.muli %while3A_220, %while3A_219 : i32
    %while3A_222 = arith.addi %while3A_216, %while3A_221 : i32
    %while3A_223 = arith.constant 1 : i32
    scf.for %while3A_225 = %while3A_216 to %while3A_222 step %while3A_223  : i32 {
      %dma_wait3A_226 = arith.constant 0 : i32
      %dma_wait3A_227 = arith.constant 0 : i32
      %dma_wait3A_228 = tpu.memref_slice %arg12[%dma_wait3A_226, %dma_wait3A_227] : memref<8x64xf32, #tpu.memory_space<vmem>> -> memref<1x64xf32, #tpu.memory_space<vmem>>
      %dma_wait3A_229 = arith.constant 0 : i32
      %dma_wait3A_230 = arith.constant 0 : i32
      %dma_wait3A_231 = tpu.memref_slice %arg5[%dma_wait3A_229, %dma_wait3A_230] : memref<16384x64xf32, #tpu.memory_space<hbm>> -> memref<1x64xf32, #tpu.memory_space<hbm>>
      %dma_wait3A_232 = arith.constant 0 : i32
      %dma_wait3A_233 = arith.constant 0 : i32
      %dma_wait3A_234 = tpu.memref_slice %arg12[%dma_wait3A_232, %dma_wait3A_233] : memref<8x64xf32, #tpu.memory_space<vmem>> -> memref<1x64xf32, #tpu.memory_space<vmem>>
      %dma_wait3A_235 = arith.constant 0 : i32
      %dma_wait3A_236 = arith.constant 0 : i32
      %dma_wait3A_237 = tpu.memref_slice %arg5[%dma_wait3A_235, %dma_wait3A_236] : memref<16384x64xf32, #tpu.memory_space<hbm>> -> memref<1x64xf32, #tpu.memory_space<hbm>>
      tpu.wait_dma2 semaphore(%arg15 : memref<!tpu.dma_semaphore, #tpu.memory_space<semaphore_mem>>) src(%dma_wait3A_237 : memref<1x64xf32, #tpu.memory_space<hbm>>) dst(%dma_wait3A_234 : memref<1x64xf32, #tpu.memory_space<vmem>>)
    }
    %while3A_224 = arith.constant 1 : i32
    scf.for %while3A_225 = %while3A_222 to %while3A_218 step %while3A_224  : i32 {
      %dma_wait3A_226 = arith.constant 0 : i32
      %dma_wait3A_227 = arith.constant 0 : i32
      %dma_wait3A_228 = tpu.memref_slice %arg12[%dma_wait3A_226, %dma_wait3A_227] : memref<8x64xf32, #tpu.memory_space<vmem>> -> memref<1x64xf32, #tpu.memory_space<vmem>>
      %dma_wait3A_229 = arith.constant 0 : i32
      %dma_wait3A_230 = arith.constant 0 : i32
      %dma_wait3A_231 = tpu.memref_slice %arg5[%dma_wait3A_229, %dma_wait3A_230] : memref<16384x64xf32, #tpu.memory_space<hbm>> -> memref<1x64xf32, #tpu.memory_space<hbm>>
      %dma_wait3A_232 = arith.constant 0 : i32
      %dma_wait3A_233 = arith.constant 0 : i32
      %dma_wait3A_234 = tpu.memref_slice %arg12[%dma_wait3A_232, %dma_wait3A_233] : memref<8x64xf32, #tpu.memory_space<vmem>> -> memref<1x64xf32, #tpu.memory_space<vmem>>
      %dma_wait3A_235 = arith.constant 0 : i32
      %dma_wait3A_236 = arith.constant 0 : i32
      %dma_wait3A_237 = tpu.memref_slice %arg5[%dma_wait3A_235, %dma_wait3A_236] : memref<16384x64xf32, #tpu.memory_space<hbm>> -> memref<1x64xf32, #tpu.memory_space<hbm>>
      tpu.wait_dma2 semaphore(%arg15 : memref<!tpu.dma_semaphore, #tpu.memory_space<semaphore_mem>>) src(%dma_wait3A_237 : memref<1x64xf32, #tpu.memory_space<hbm>>) dst(%dma_wait3A_234 : memref<1x64xf32, #tpu.memory_space<vmem>>)
    }
    return
  }
}

</mosaic_0001>

<sc_bundles>
// kernel: kernel.3.cloned.1.call-start
scs
__scs_entry_jumppad:
0x0: {  	(pc) =	sbr.rel $0x88, $3  }
0x1: {  	(tag) =	ssettag $0x0;
	lr =	simm.s32 $0x1  }
0x2: {  	[smem:$0x3F9F] =	sst lr;
	_ =	strace $0xD0000000  }
0x3: {  	_ = 	snop  }
0x4: {  	_ = 	snop  }
0x5: {  	_ = 	snop  }
0x6: {  	_ = 	snop  }
0x7: {  	_ = 	snop  }
__scs_overlays_trampoline_lowered:
0x8: {  	[smem:$0x3FAE] =	sst s0  }
0x9: {  	[smem:$0x3FAF] =	sst s1  }
0xa: {  	[smem:$0x3FB0] =	sst s2  }
0xb: {  	[smem:$0x3FB1] =	sst s3  }
0xc: {  	[smem:$0x3FB2] =	sst s4  }
0xd: {  	[smem:$0x3FB3] =	sst s5  }
0xe: {  	[smem:$0x3FB4] =	sst s6  }
0xf: {  	[smem:$0x3FB5] =	sst s7  }
0x10: {  	[smem:$0x3FB6] =	sst s8  }
0x11: {  	[smem:$0x3FB7] =	sst s9;
	s0 =	simm.s32 @!p0 $0x0  }
0x12: {  	s1 =	sld [smem:$0x3F9D];
	s0 =	simm.s32 @p0 $0x1  }
0x13: {  	[smem:$0x3FB8] =	sst s0;
	s0 =	simm.s32 @!p1 $0x0  }
0x14: {  	s2 =	sld [smem:$0x3F9C];
	s0 =	simm.s32 @p1 $0x1  }
0x15: {  	[smem:$0x3FB9] =	sst s0;
	s0 =	simm.s32 @!p2 $0x0  }
0x16: {  	s3 =	sld [smem:$0x3FDB];
	s0 =	simm.s32 @p2 $0x1  }
0x17: {  	s4 =	simm.s32 $0x1BF5;
	[smem:$0x3FBB] =	sst s0  }
0x18: {  	s0 =	sld [smem:$0x3F9E];
	_ =	swait.ge [sflag:s4], $0x0  }
0x19: {  	s7 =	sld [smem:$0x3F9F]  }
0x1a: {  	s8 =	sadd.s32 $0xFFFFE003, lr  }
0x1b: {  	s9 =	sadd.s32 $0xFFFFFEF7, lr;
	s5 =	simm.s32 $0xFFFFFFFF;
	p2 =	slt.u32 s8, $0xFFFFF086  }
0x1c: {  	p1 =	slt.u32 s9, $0xF7A;
	s5 =	simm.s32 @!p2 $0x0  }
0x1d: {  	s5 =	simm.s32 @p1 $0x1;
	p0 =	seq.s32 s7, s2  }
0x1e: {  	s7 =	smul.u32 @!p0 $0xF7A, s2;
	p2 =	seq.s32 @!p0 s5, $0x0  }
0x1f: {  	s9 =	smul.u32 $0xF7A, s1;
	s8 =	simm.s32 @!p0 $0x1BF5;
	p2 =	por !p2, p0  }
0x20: {  	[sflag:s8] =	ssyncset.s32 @!p0 $0xFFFFF086;
	s6 =	sadd.s32 @!p0 s3, s7;
	s7 =	simm.s32 @!p0 $0x108  }
0x21: {  	s3 =	sadd.s32 s3, s9;
	s6 =	sadd.s32 @!p0 $0x88, s6;
	s7 =	simm.s32 @p2 $0x1082  }
0x22: {  	[simem:s7], [sflag:s8] =	dma.local @!p0 [hbm:s6], $0xF7A  }
0x23: {  	s9 =	sor.u32 $0xD0000000, s2;
	s6 =	simm.s32 $0x108;
	_ =	swait.ge @!p0 [sflag:s8], $0x0  }
0x24: {  	s3 =	sadd.s32 $0x88, s3;
	s6 =	simm.s32 @!p1 $0x1082;
	[sflag:s4] =	ssyncset.s32 $0xFFFFF086  }
0x25: {  	[simem:s6], [sflag:s4] =	dma.local [hbm:s3], $0xF7A  }
0x26: {  	[smem:$0x3F9F] =	sst s1;
	(tag) =	ssettag s2;
	_ =	strace s9  }
0x27: {  	s1 =	sld [smem:$0x3FAF]  }
0x28: {  	s2 =	sld [smem:$0x3FB0]  }
0x29: {  	s4 =	sld [smem:$0x3FB2]  }
0x2a: {  	p0 =	seq.s32 s5, $0x0;
	s5 =	sld [smem:$0x3FB3]  }
0x2b: {  	s6 =	sld [smem:$0x3FB4]  }
0x2c: {  	s7 =	sld [smem:$0x3FB5]  }
0x2d: {  	s3 =	simm.s32 $0x108;
	s8 =	sld [smem:$0x3FB6]  }
0x2e: {  	s3 =	simm.s32 @!p0 $0x1082;
	s9 =	sld [smem:$0x3FB7]  }
0x2f: {  	lr =	sadd.s32 s0, s3;
	s0 =	sld [smem:$0x3FAE]  }
0x30: {  	s3 =	sld [smem:$0x3FB1]  }
0x31: {  	[smem:$0x3FBA] =	sst s10  }
0x32: {  	s10 =	sld [smem:$0x3FB8];
	_ =	sdelay $0x3  }
0x33: {  	p0 =	seq.s32 s10, $0x1;
	s10 =	sld [smem:$0x3FBA];
	_ =	sdelay $0x3  }
0x34: {  	[smem:$0x3FBA] =	sst s10  }
0x35: {  	s10 =	sld [smem:$0x3FB9];
	_ =	sdelay $0x3  }
0x36: {  	p1 =	seq.s32 s10, $0x1;
	s10 =	sld [smem:$0x3FBA];
	_ =	sdelay $0x3  }
0x37: {  	[smem:$0x3FBA] =	sst s10  }
0x38: {  	s10 =	sld [smem:$0x3FBB]  }
0x39: {  	_ = 	snop;
	(pc) =	sbr.ind lr, $3  }
0x3a: {  	_ = 	snop  }
0x3b: {  	_ = 	snop  }
0x3c: {  	p2 =	seq.s32 s10, $0x1;
	s10 =	sld [smem:$0x3FBA]  }
0x3d: {  	_ =	shalt  }
0x3e: {  	_ =	shalt  }
0x3f: {  	_ =	shalt  }
0x40: {  	_ =	shalt  }
0x41: {  	_ =	shalt  }
0x42: {  	_ =	shalt  }
0x43: {  	_ =	shalt  }
0x44: {  	_ =	shalt  }
0x45: {  	_ =	shalt  }
0x46: {  	_ =	shalt  }
0x47: {  	_ =	shalt  }
0x48: {  	_ =	shalt  }
0x49: {  	_ =	shalt  }
0x4a: {  	_ =	shalt  }
0x4b: {  	_ =	shalt  }
0x4c: {  	_ =	shalt  }
0x4d: {  	_ =	shalt  }
0x4e: {  	_ =	shalt  }
0x4f: {  	_ =	shalt  }
0x50: {  	_ =	shalt  }
0x51: {  	_ =	shalt  }
0x52: {  	_ =	shalt  }
0x53: {  	_ =	shalt  }
0x54: {  	_ =	shalt  }
0x55: {  	_ =	shalt  }
0x56: {  	_ =	shalt  }
0x57: {  	_ =	shalt  }
0x58: {  	_ =	shalt  }
0x59: {  	_ =	shalt  }
0x5a: {  	_ =	shalt  }
0x5b: {  	_ =	shalt  }
0x5c: {  	_ =	shalt  }
0x5d: {  	_ =	shalt  }
0x5e: {  	_ =	shalt  }
0x5f: {  	_ =	shalt  }
0x60: {  	_ =	shalt  }
0x61: {  	_ =	shalt  }
0x62: {  	_ =	shalt  }
0x63: {  	_ =	shalt  }
0x64: {  	_ =	shalt  }
0x65: {  	_ =	shalt  }
0x66: {  	_ =	shalt  }
0x67: {  	_ =	shalt  }
0x68: {  	_ =	shalt  }
0x69: {  	_ =	shalt  }
0x6a: {  	_ =	shalt  }
0x6b: {  	_ =	shalt  }
0x6c: {  	_ =	shalt  }
0x6d: {  	_ =	shalt  }
0x6e: {  	_ =	shalt  }
0x6f: {  	_ =	shalt  }
0x70: {  	_ =	shalt  }
0x71: {  	_ =	shalt  }
0x72: {  	_ =	shalt  }
0x73: {  	_ =	shalt  }
0x74: {  	_ =	shalt  }
0x75: {  	_ =	shalt  }
0x76: {  	_ =	shalt  }
0x77: {  	_ =	shalt  }
0x78: {  	_ =	shalt  }
0x79: {  	_ =	shalt  }
0x7a: {  	_ =	shalt  }
0x7b: {  	_ =	shalt  }
0x7c: {  	_ =	shalt  }
0x7d: {  	_ =	shalt  }
0x7e: {  	_ =	shalt  }
0x7f: {  	_ =	shalt  }
0x80: {  	_ =	shalt  }
0x81: {  	_ =	shalt  }
0x82: {  	_ =	shalt  }
0x83: {  	_ =	shalt  }
0x84: {  	_ =	shalt  }
0x85: {  	_ =	shalt  }
0x86: {  	_ =	shalt  }
0x87: {  	_ =	shalt  }
.Lfunc_end0:
.L_simem_size_0:
called_computation_lowered:
.L_overlay_start_0:
0x88: {  	s2 =	sld [smem:$0x3FD9]  }
0x89: {  	s3 =	sld [smem:$0x3FFE];
	_ =	sdelay $0x1  }
0x8a: {  	s1 =	srdreg.scid  }
0x8b: {  	s0 =	sand.u32 $0x1, s1  }
0x8c: {  	s17 =	sshll.u32 s0, $0xA;
	s2 =	sadd.s32 s3, s2  }
0x8d: {  	s2 =	sadd.s32 s2, s17  }
0x8e: {  	[smem:$0x3FC6] =	sst s2  }
0x8f: {  	_ = 	snop  }
0x90: {  	s2 =	sld [smem:$0x3FC9]  }
0x91: {  	s18 =	sld [smem:$0x3FC8]  }
0x92: {  	s4 =	sld [smem:$0x3FD0];
	(tm) =	ssettm $0x1  }
0x93: {  	s5 =	sld [smem:$0x3FFB];
	_ =	sdelay $0x3  }
0x94: {  	_ =	strace s5  }
0x95: {  	s5 =	sld [smem:$0x3FFC];
	_ =	sdelay $0x3  }
0x96: {  	_ =	strace s5  }
0x97: {  	s5 =	sld [smem:$0x3FFD];
	_ =	sdelay $0x3  }
0x98: {  	_ =	strace s5  }
0x99: {  	_ =	strace $0x8FFFFFFF  }
0x9a: {  	s19 =	sld [smem:$0x3FDB];
	_ =	sdelay $0x1  }
0x9b: {  	s6 =	simm.s32 $_scs_section_size  }
0x9c: {  	s7 =	simm.s32 $_size__tile_overlayer_lowered;
	s8 =	simm.s32 $_tile_overlayer_lowered  }
0x9d: {  	s22 =	simm.s32 $0x1BFF;
	s21 =	sshll.u32 s8, $0x1;
	s5 =	sadd.s32 s6, s19  }
0x9e: {  	s9 =	simm.s32 $0x0;
	s20 =	sshll.u32 s7, $0x1;
	s7 =	sadd.s32 s21, s5  }
0x9f: {  	[timem:s9], [sflag:s22] =	dma.local [hbm:s7], s20  }
0xa0: {  	_ =	swait.ge [sflag:s22], s20  }
0xa1: {  	s6 =	ssub.s32 $0x0, s20;
	[sflag:s22] =	ssyncset.done $0x0  }
0xa2: {  	[sflag:s22] =	ssyncadd.s32 s6;
	_ =	sdelay $0x1  }
0xa3: {  	s23 =	simm.s32 $0x1B8B  }
0xa4: {  	_ =	swait.ge [sflag:s23], $0x1  }
0xa5: {  	[sflag:s23] =	ssyncset.done $0x0  }
0xa6: {  	s25 =	simm.s32 $0x1B8E;
	s24 =	sld [smem:$0x3FFE];
	[sflag:s23] =	ssyncadd.s32 $0xFFFFFFFF  }
0xa7: {  	s26 =	simm.s32 $execute0_lowered;
	[smem:$0x3FD2] =	sst s25  }
0xa8: {  	s7 =	sshll.u32 s26, $0x1;
	_ =	strace $0x80000046;
	[dreg:$0x1] =	wrdreg $0xFFFFFFFF  }
0xa9: {  	s28 =	simm.s32 $_size_execute0_lowered;
	s5 =	sadd.s32 s5, s7;
	[dreg:$0x0] =	wrdreg $0x0  }
0xaa: {  	s7 =	sshll.u32 s28, $0x1;
	[dreg:$0x2] =	wrdreg s5  }
0xab: {  	[dreg:$0x3] =	wrdreg s7  }
0xac: {  	[dreg:$0x4] =	wrdreg $0xC0  }
0xad: {  	_ =	task [dreg:s9], $0x5FFFF  }
0xae: {  	[dreg:$0x1] =	wrdreg $0xFFFFFFFF  }
0xaf: {  	[dreg:$0x0] =	wrdreg $0x60  }
0xb0: {  	[dreg:$0x2] =	wrdreg s2  }
0xb1: {  	[dreg:$0x3] =	wrdreg s18  }
0xb2: {  	[dreg:$0x4] =	wrdreg s4  }
0xb3: {  	[dreg:$0x5] =	wrdreg s24  }
0xb4: {  	[dreg:$0x6] =	wrdreg $0x9  }
0xb5: {  	_ =	task.clear_ibuf [dreg:s9], $0x7FFFF;
	_ =	strace $0x90000046  }
0xb6: {  	s29 =	simm.s32 $0x9;
	_ =	strace $0x80000048  }
0xb7: {  	_ =	swait.ge [sflag:s29], $0x1  }
0xb8: {  	[sflag:s29] =	ssyncadd.s32 $0xFFFFFFFF  }
0xb9: {  	_ =	strace $0x90000048  }
0xba: {  	_ =	sfence  }
0xbb: {  	s30 =	sld [smem:$0x0];
	_ =	sdelay $0x2  }
0xbc: {  	s31 =	sshll.u32 s1, $0xD;
	s1 =	sshrl.u32 s1, $0x2  }
0xbd: {  	s3 =	sand.u32 $0x4000, s31;
	s1 =	sadd.s32 s1, s30  }
0xbe: {  	s0 =	sor.u32 s3, s0;
	s1 =	sshll.u32 s1, $0x11  }
0xbf: {  	s0 =	sor.u32 s1, s0  }
0xc0: {  	s0 =	sadd.s32 $0x8F2B, s0  }
0xc1: {  	[sflag:s0] =	ssyncadd.remote.s32 $0x1  }
0xc2: {  	_ =	sfence.sel $0xFFFF  }
0xc3: {  	[dreg:$0x0] =	wrdreg $0xFFFFFFFF;
	(pc) =	sbr.abs _section_cstart, $3  }
0xc4: {  	[dreg:$0x1] =	wrdreg $0xFFFFFFFF  }
0xc5: {  	_ =	task.clear_ibuf [dreg:s9], $0x2FFFF;
	_ =	strace $0x9FFFFFFF  }
0xc6: {  	(tm) =	ssettm $0x7FFFFFFF  }
0xc7: {  	_ =	shalt  }
tec
execute0_lowered:
.L_overlay_start_1:
0x0: {  	(tag) =	ssettag $0x1  }
0x1: {  	s1 =	rddreg [dreg:$0x0]  }
0x2: {  	s4 =	rddreg [dreg:$0x2]  }
0x3: {  	s0 =	rddreg [dreg:$0x3]  }
0x4: {  	s6 =	srdreg.scid;
	s2 =	stileid.u32  }
0x5: {  	s5 =	simm.s32 $0x0;
	s12 =	simm.s32 $0x40;
	s13 =	simm.s32 $0x1000  }
0x6: {  	s14 =	simm.s32 $0x7A1400;
	s15 =	simm.s32 $0xC100;
	s16 =	simm.s32 $0x14100  }
0x7: {  	s17 =	simm.s32 $0x4;
	s19 =	simm.s32 $0x4000;
	s20 =	simm.s32 $0x1  }
0x8: {  	s22 =	simm.s32 $0x3;
	s23 =	simm.s32 $0x0;
	s6 =	sand.u32 $0x1, s6  }
0x9: {  	s7 =	sshll.u32 s2, $0x1;
	[smem:$0x7FF] =	sst s5;
	p0 =	slt.u32 s2, $0x2  }
0xa: {  	s9 =	sor.u32 s6, s7;
	_ =	strace $0x80000047;
	s10 =	ssub.s32 $0x2, s6  }
0xb: {  	s6 =	sadd.s32 $0x400, s0;
	s7 =	simm.s32 $0xF5;
	s8 =	smul.u32 $0xF4, s9  }
0xc: {  	s30 =	sshrl.u32 s10, $0x1;
	s11 =	smin.u32 s9, $0x4;
	s7 =	simm.s32 @!p0 $0xF4  }
.Ltmp0:
0xd: {  	p1 =	seq.s32 s9, $0x1F;
	s9 =	simm.s32 $0xF1;
	(pc) =	sbr.rel .LBB2_1-.Ltmp0, $4  }
0xe: {  	s0 =	ssub.s32 s10, s30;
	s31 =	sshll.u32 s7, $0x7;
	s8 =	sadd.s32 s11, s8  }
0xf: {  	s12 =	simm.s32 @!p1 $0x0;
	s9 =	simm.s32 @!p0 $0xF0;
	s18 =	sshll.u32 s8, $0x7  }
0x10: {  	v2 =	vlaneseq.u32;
	s21 =	sor.u32 s31, s12;
	s12 =	smax.u32 s0, $0x1;
	s10 =	sadd.s32 s1, s18  }
0x11: {  	v3 =	vimm.s32 $0x0;
	v1 =	vmov s21;
	s21 =	simm.s32 $0x2;
	v0 =	vmov s18;
	s18 =	simm.s32 $0x1C100;
	s11 =	sadd.s32 $0x200, s10  }
.LBB2_66:
0x12: {  	[sflag:s22] =	ssyncadd.s32 $0xFFFFFF80  }
.LBB2_67:
0x13: {  	s23 =	sadd.s32 $0x1, s23  }
0x14: {  	p0 =	sne.s32 s23, s12  }
.Ltmp1:
0x15: {  	_ = 	snop;
	(pc) =	sbr.rel @!p0 .LBB2_68-.Ltmp1, $1  }
0x16: {  	_ =	sdelay $0x3  }
.LBB2_1:
0x17: {  	[tilespmem:s15], [sflag:$0x1] =	stream.strided.gather [hbm4b:s10+s13], $0x8000, s14, s13, $0x38;
	[tilespmem:$0x1E500] =	vst v63  }
0x18: {  	_ = 	snop  }
0x19: {  	[tilespmem:s16], [sflag:$0x2] =	stream.strided.gather [hbm4b:s11+s13], $0x8000, s14, s13, $0x38;
	[tilespmem:$0x1E500] =	vst v63  }
0x1a: {  	s0 =	rddreg [dreg:$0x1]  }
0x1b: {  	[tilespmem:s5], [sflag:$0x4] =	stream.linear.gather [hbm4b:s0+s5], $0x4000, $0x38;
	[tilespmem:$0x1E500] =	vst v63  }
0x1c: {  	_ =	swait.ge [sflag:s17], $0x4000  }
0x1d: {  	[sflag:s17] =	ssyncset.done $0x0  }
0x1e: {  	[sflag:s17] =	ssyncadd.s32 $0xFFFFC000  }
0x1f: {  	[tilespmem:s18], [sflag:$0x4] =	stream.linear.gather [hbm4b:s4+s5], $0x2000, $0x38;
	[tilespmem:$0x1E500] =	vst v63  }
0x20: {  	_ =	swait.ge [sflag:s17], $0x2000  }
0x21: {  	[sflag:s17] =	ssyncset.done $0x0  }
0x22: {  	[sflag:s17] =	ssyncadd.s32 $0xFFFFE000  }
0x23: {  	v5 =	vimm.s32 $0x0;
	v4 =	vimm.s32 $0x0;
	s25 =	simm.s32 $0x0;
	s24 =	simm.s32 $0x0;
	s0 =	simm.s32 $0x10;
	v6 =	vld [tilespmem:s5+$0x0]  }
.LBB2_2:
0x24: {  	p0 =	sne.s32 s0, $0x3FF0;
	_ =	sdelay $0x3  }
0x25: {  	v6 =	vsub.s32 v6, v0  }
0x26: {  	vm0 =	vgt.s32 v6, $0xFFFFFFFF;
	vm1 =	vlt.s32 v6, v1  }
0x27: {  	vm0 =	vmand vm0, vm1  }
0x28: {  	v7 =	vsel vm0, $0x1, v3;
	v8 =	vmpcnt.ones.xlane vm0  }
0x29: {  	(xrf0) =	vadd.scan.msk.s32 $0xffff, v7  }
0x2a: {  	v5 =	vadd.s32 v5, v8;
	_ =	sdelay $0x4  }
0x2b: {  	v7, _, _ =	vpop (xrf0)  }
0x2c: {  	v7 =	vadd.s32 v7, v4;
	v4 =	vmov v5  }
0x2d: {  	v7 =	vadd.s32 $0xFFFFFFFF, v7;
	_ =	sdelay $0x1  }
.Ltmp2:
0x2e: {  	v6 =	vshll.u32 v6, $0xE;
	(pc) =	sbr.rel @p0 .LBB2_2-.Ltmp2, $4  }
0x2f: {  	v6 =	vadd.s32 s25, v6;
	s25 =	smov.u32 s0  }
0x30: {  	v6 =	vadd.s32 v2, v6  }
0x31: {  	s24 =	sadd.s32 $0x10, s24;
	[tilespmem:v7+s19+$0x0] =	vst.idx.msk vm0, v6  }
0x32: {  	s0 =	sadd.s32 $0x10, s0;
	v6 =	vld [tilespmem:s24+$0x0]  }
0x33: {  	_ =	sdelay $0x3  }
0x34: {  	v6 =	vsub.s32 v6, v0  }
0x35: {  	vm0 =	vgt.s32 v6, $0xFFFFFFFF;
	vm1 =	vlt.s32 v6, v1  }
0x36: {  	vm0 =	vmand vm0, vm1  }
0x37: {  	v7 =	vmpcnt.ones.xlane vm0;
	_ =	sdelay $0x1  }
0x38: {  	v5 =	vadd.s32 v5, v7  }
0x39: {  	(v2sf) =	vpush v5, $0x0;
	_ =	sdelay $0x8  }
0x3a: {  	v7 =	vsel vm0, $0x1, v3  }
0x3b: {  	(xrf0) =	vadd.scan.msk.s32 $0xffff, v7;
	_ =	sdelay $0x4  }
0x3c: {  	s24 =	spop (v2sf)  }
0x3d: {  	v6 =	vshll.u32 v6, $0xE;
	v7, _, _ =	vpop (xrf0);
	s0 =	sadd.s32 $0xF, s24  }
0x3e: {  	v6 =	vadd.s32 s25, v6;
	v4 =	vadd.s32 v7, v4;
	s25 =	sshrl.u32 s0, $0x4  }
0x3f: {  	v4 =	vadd.s32 $0xFFFFFFFF, v4;
	p0 =	seq.s32 s25, $0x0  }
.Ltmp3:
0x40: {  	_ = 	snop;
	(pc) =	sbr.rel @p0 .LBB2_48-.Ltmp3, $3  }
0x41: {  	_ =	sdelay $0x1  }
0x42: {  	v6 =	vadd.s32 v2, v6  }
0x43: {  	[tilespmem:v4+s19+$0x0] =	vst.idx.msk vm0, v6  }
0x44: {  	s26 =	simm.s32 $0x4000  }
0x45: {  	p0 =	seq.s32 s25, $0x1;
	v7 =	vld [tilespmem:s26+$0x0]  }
.Ltmp4:
0x46: {  	_ = 	snop;
	(pc) =	sbr.rel @p0 .LBB2_6-.Ltmp4, $3  }
0x47: {  	_ =	sdelay $0x1  }
0x48: {  	v4 =	vbroadcast v5, $0x0;
	s0 =	simm.s32 $0x0  }
0x49: {  	v5 =	vimm.s32 $0x0;
	s28 =	simm.s32 $0x4010;
	s26 =	sadd.s32 $0xFFFFFFFF, s25;
	v6 =	vor.u32 s0, v2;
	v7 =	vand.u32 $0x800000, v7  }
.LBB2_5:
0x4a: {  	v8 =	vld [tilespmem:s28+$0x0];
	p1 =	seq.s32 s26, $0x1;
	s26 =	sadd.s32 $0xFFFFFFFF, s26;
	vm0 =	vlt.s32 v6, v4;
	vm1 =	veq.s32 v7, $0x0  }
.Ltmp5:
0x4b: {  	vm0 =	vmand vm0, vm1;
	(pc) =	sbr.rel @!p1 .LBB2_5-.Ltmp5, $3  }
0x4c: {  	v6 =	vmpcnt.ones.xlane vm0;
	_ =	sdelay $0x1  }
0x4d: {  	s0 =	sadd.s32 $0x10, s0;
	v5 =	vadd.s32 v5, v6  }
0x4e: {  	s28 =	sadd.s32 $0x10, s28;
	v6 =	vor.u32 s0, v2;
	v7 =	vand.u32 $0x800000, v8  }
.LBB2_6:
0x4f: {  	vm0 =	vlt.s32 v6, v4;
	vm1 =	veq.s32 v7, $0x0  }
.Ltmp6:
0x50: {  	vm0 =	vmand vm0, vm1;
	(pc) =	sbr.rel @p0 .LBB2_7-.Ltmp6, $3  }
0x51: {  	v6 =	vmpcnt.ones.xlane vm0;
	_ =	sdelay $0x1  }
0x52: {  	s0 =	simm.s32 $0x4000;
	s26 =	simm.s32 $0x0;
	v5 =	vadd.s32 v5, v6  }
0x53: {  	s28 =	sadd.s32 $0xFFFFFFFF, s25;
	p1 =	por $0x0, $0x0;
	v8 =	vld [tilespmem:s0+$0x0];
	v6 =	vor.u32 s26, v2;
	v7 =	vadd.s32 $0xFFFFFFFF, v5;
	v5 =	vimm.s32 $0x0  }
0x54: {  	_ =	sdelay $0x3  }
0x55: {  	v9 =	vor.u32 s26, v2;
	v10 =	vand.u32 $0x800000, v8  }
0x56: {  	vm0 =	vlt.s32 v9, v4;
	vm1 =	veq.s32 v10, $0x0  }
0x57: {  	vm1 =	vmand vm0, vm1  }
0x58: {  	vm2 =	vne.s32 v10, $0x0;
	v9 =	vsel vm1, $0x1, v3  }
0x59: {  	vm0 =	vmand vm0, vm2;
	(xrf0) =	vadd.scan.msk.s32 $0xffff, v9  }
0x5a: {  	v9 =	vsel vm0, $0x1, v3  }
0x5b: {  	(xrf0) =	vadd.scan.msk.s32 $0xffff, v9;
	_ =	sdelay $0x3  }
0x5c: {  	v9, _, _ =	vpop (xrf0)  }
0x5d: {  	v9 =	vadd.s32 v9, v5  }
0x5e: {  	v10 =	vadd.s32 v5, v7;
	v11, _, _ =	vpop (xrf0);
	v9 =	vadd.s32 $0xFFFFFFFF, v9  }
0x5f: {  	v11 =	vadd.s32 v11, v10;
	_ =	sdelay $0x1  }
0x60: {  	p2 =	seq.s32 s28, $0x1  }
.Ltmp7:
0x61: {  	s29 =	simm.s32 $0x8080;
	v12 =	vmpcnt.ones.xlane vm0;
	(pc) =	sbr.rel @p2 .LBB2_9-.Ltmp7, $4  }
0x62: {  	v10 =	vmpcnt.ones.xlane vm1;
	[tilespmem:v9+s29+$0x0] =	vst.idx.msk vm1, v8  }
0x63: {  	s31 =	simm.s32 $0x4010;
	[tilespmem:v11+s29+$0x0] =	vst.idx.msk vm0, v8  }
0x64: {  	v9 =	vadd.s32 v5, v10;
	v10 =	vadd.s32 v5, v12;
	v8 =	vld [tilespmem:s31+$0x0]  }
0x65: {  	s0 =	sadd.s32 $0xFFFFFFFF, s28;
	p1 =	por $0x1, $0x1;
	s30 =	simm.s32 $0x0;
	v11 =	vmov v9;
	v12 =	vmov v10  }
.LBB2_10:
0x66: {  	p2 =	seq.s32 s0, $0x1;
	_ =	sdelay $0x1  }
0x67: {  	s30 =	sadd.s32 $0x10, s30  }
0x68: {  	v13 =	vor.u32 s30, v2;
	v14 =	vand.u32 $0x800000, v8  }
0x69: {  	vm1 =	vlt.s32 v13, v4;
	vm0 =	veq.s32 v14, $0x0  }
0x6a: {  	vm0 =	vmand vm1, vm0  }
0x6b: {  	vm2 =	vne.s32 v14, $0x0;
	v13 =	vsel vm0, $0x1, v3;
	v14 =	vmpcnt.ones.xlane vm0  }
0x6c: {  	vm1 =	vmand vm1, vm2;
	(xrf0) =	vadd.scan.msk.s32 $0xffff, v13  }
0x6d: {  	v13 =	vsel vm1, $0x1, v3;
	v11 =	vadd.s32 v11, v14;
	v14 =	vmpcnt.ones.xlane vm1  }
0x6e: {  	(xrf0) =	vadd.scan.msk.s32 $0xffff, v13  }
0x6f: {  	v12 =	vadd.s32 v12, v14;
	_ =	sdelay $0x2  }
0x70: {  	v13, _, _ =	vpop (xrf0)  }
0x71: {  	v13 =	vadd.s32 v13, v9;
	v9 =	vmov v11  }
0x72: {  	v14 =	vadd.s32 v10, v7;
	v10 =	vmov v12;
	v13 =	vadd.s32 $0xFFFFFFFF, v13;
	v15, _, _ =	vpop (xrf0)  }
0x73: {  	v14 =	vadd.s32 v15, v14;
	_ =	sdelay $0x2  }
.Ltmp8:
0x74: {  	(pc) =	sbr.rel @!p2 .LBB2_10-.Ltmp8, $4  }
0x75: {  	[tilespmem:v13+s29+$0x0] =	vst.idx.msk vm0, v8  }
0x76: {  	s31 =	sadd.s32 $0x10, s31;
	[tilespmem:v14+s29+$0x0] =	vst.idx.msk vm1, v8  }
0x77: {  	v8 =	vld [tilespmem:s31+$0x0]  }
0x78: {  	s0 =	sadd.s32 $0xFFFFFFFF, s0  }
.LBB2_11:
0x79: {  	_ = 	snop  }
0x7a: {  	s0 =	sadd.s32 @p1 $0x10, s30;
	s29 =	simm.s32 $0x0  }
0x7b: {  	s29 =	smov.u32 @p1 s0  }
0x7c: {  	v11 =	vor.u32 s29, v2;
	v12 =	vand.u32 $0x800000, v8  }
0x7d: {  	vm0 =	vlt.s32 v11, v4;
	vm1 =	veq.s32 v12, $0x0  }
0x7e: {  	vm1 =	vmand vm0, vm1  }
0x7f: {  	vm2 =	vne.s32 v12, $0x0;
	v60 =	vsel vm1, $0x1, v3  }
0x80: {  	vm0 =	vmand vm0, vm2;
	(xrf0) =	vadd.scan.msk.s32 $0xffff, v60  }
0x81: {  	v61 =	vsel vm0, $0x1, v3  }
0x82: {  	(xrf0) =	vadd.scan.msk.s32 $0xffff, v61;
	_ =	sdelay $0x3  }
0x83: {  	v62, _, _ =	vpop (xrf0)  }
0x84: {  	v9 =	vadd.s32 v62, v9  }
0x85: {  	v7 =	vadd.s32 v10, v7;
	v63, _, _ =	vpop (xrf0);
	v9 =	vadd.s32 $0xFFFFFFFF, v9  }
0x86: {  	v7 =	vadd.s32 v63, v7;
	_ =	sdelay $0x2  }
0x87: {  	s31 =	simm.s32 $0x8080  }
0x88: {  	[tilespmem:v9+s31+$0x0] =	vst.idx.msk vm1, v8  }
0x89: {  	[tilespmem:v7+s31+$0x0] =	vst.idx.msk vm0, v8  }
0x8a: {  	v7 =	vld [tilespmem:s31+$0x0]  }
.Ltmp9:
0x8b: {  	_ = 	snop;
	(pc) =	sbr.rel @p0 .LBB2_13-.Ltmp9, $2  }
0x8c: {  	_ =	sdelay $0x2  }
0x8d: {  	s0 =	simm.s32 $0x8090;
	v7 =	vand.u32 $0x1000000, v7  }
.LBB2_12:
0x8e: {  	v8 =	vld [tilespmem:s0+$0x0];
	p1 =	seq.s32 s28, $0x1;
	s28 =	sadd.s32 $0xFFFFFFFF, s28;
	vm0 =	vlt.s32 v6, v4;
	vm1 =	veq.s32 v7, $0x0  }
.Ltmp10:
0x8f: {  	vm0 =	vmand vm0, vm1;
	(pc) =	sbr.rel @!p1 .LBB2_12-.Ltmp10, $3  }
0x90: {  	v6 =	vmpcnt.ones.xlane vm0;
	_ =	sdelay $0x1  }
0x91: {  	s26 =	sadd.s32 $0x10, s26;
	v5 =	vadd.s32 v5, v6  }
0x92: {  	s0 =	sadd.s32 $0x10, s0;
	v6 =	vor.u32 s26, v2;
	v7 =	vand.u32 $0x1000000, v8  }
.LBB2_13:
0x93: {  	vm0 =	vlt.s32 v6, v4;
	vm1 =	veq.s32 v7, $0x0  }
.Ltmp11:
0x94: {  	vm0 =	vmand vm0, vm1;
	(pc) =	sbr.rel @p0 .LBB2_14-.Ltmp11, $3  }
0x95: {  	v6 =	vmpcnt.ones.xlane vm0;
	_ =	sdelay $0x1  }
0x96: {  	s0 =	simm.s32 $0x8080;
	s26 =	simm.s32 $0x0;
	v5 =	vadd.s32 v5, v6  }
0x97: {  	s28 =	sadd.s32 $0xFFFFFFFF, s25;
	p1 =	por $0x0, $0x0;
	v8 =	vld [tilespmem:s0+$0x0];
	v6 =	vor.u32 s26, v2;
	v7 =	vadd.s32 $0xFFFFFFFF, v5;
	v5 =	vimm.s32 $0x0  }
0x98: {  	_ =	sdelay $0x3  }
0x99: {  	v9 =	vor.u32 s26, v2;
	v10 =	vand.u32 $0x1000000, v8  }
0x9a: {  	vm0 =	vlt.s32 v9, v4;
	vm1 =	veq.s32 v10, $0x0  }
0x9b: {  	vm1 =	vmand vm0, vm1  }
0x9c: {  	vm2 =	vne.s32 v10, $0x0;
	v9 =	vsel vm1, $0x1, v3  }
0x9d: {  	vm0 =	vmand vm0, vm2;
	(xrf0) =	vadd.scan.msk.s32 $0xffff, v9  }
0x9e: {  	v9 =	vsel vm0, $0x1, v3  }
0x9f: {  	(xrf0) =	vadd.scan.msk.s32 $0xffff, v9;
	_ =	sdelay $0x3  }
0xa0: {  	v9, _, _ =	vpop (xrf0)  }
0xa1: {  	v9 =	vadd.s32 v9, v5  }
0xa2: {  	v10 =	vadd.s32 v5, v7;
	v11, _, _ =	vpop (xrf0);
	v9 =	vadd.s32 $0xFFFFFFFF, v9  }
0xa3: {  	v11 =	vadd.s32 v11, v10;
	_ =	sdelay $0x1  }
0xa4: {  	p2 =	seq.s32 s28, $0x1  }
.Ltmp12:
0xa5: {  	s29 =	simm.s32 $0x4000;
	v12 =	vmpcnt.ones.xlane vm0;
	(pc) =	sbr.rel @p2 .LBB2_16-.Ltmp12, $4  }
0xa6: {  	v10 =	vmpcnt.ones.xlane vm1;
	[tilespmem:v9+s29+$0x0] =	vst.idx.msk vm1, v8  }
0xa7: {  	s31 =	simm.s32 $0x8090;
	[tilespmem:v11+s29+$0x0] =	vst.idx.msk vm0, v8  }
0xa8: {  	v9 =	vadd.s32 v5, v10;
	v10 =	vadd.s32 v5, v12;
	v8 =	vld [tilespmem:s31+$0x0]  }
0xa9: {  	s0 =	sadd.s32 $0xFFFFFFFF, s28;
	p1 =	por $0x1, $0x1;
	s30 =	simm.s32 $0x0;
	v11 =	vmov v9;
	v12 =	vmov v10  }
.LBB2_17:
0xaa: {  	p2 =	seq.s32 s0, $0x1;
	_ =	sdelay $0x1  }
0xab: {  	s30 =	sadd.s32 $0x10, s30  }
0xac: {  	v13 =	vor.u32 s30, v2;
	v14 =	vand.u32 $0x1000000, v8  }
0xad: {  	vm1 =	vlt.s32 v13, v4;
	vm0 =	veq.s32 v14, $0x0  }
0xae: {  	vm0 =	vmand vm1, vm0  }
0xaf: {  	vm2 =	vne.s32 v14, $0x0;
	v13 =	vsel vm0, $0x1, v3;
	v14 =	vmpcnt.ones.xlane vm0  }
0xb0: {  	vm1 =	vmand vm1, vm2;
	(xrf0) =	vadd.scan.msk.s32 $0xffff, v13  }
0xb1: {  	v13 =	vsel vm1, $0x1, v3;
	v11 =	vadd.s32 v11, v14;
	v14 =	vmpcnt.ones.xlane vm1  }
0xb2: {  	(xrf0) =	vadd.scan.msk.s32 $0xffff, v13  }
0xb3: {  	v12 =	vadd.s32 v12, v14;
	_ =	sdelay $0x2  }
0xb4: {  	v13, _, _ =	vpop (xrf0)  }
0xb5: {  	v13 =	vadd.s32 v13, v9;
	v9 =	vmov v11  }
0xb6: {  	v14 =	vadd.s32 v10, v7;
	v10 =	vmov v12;
	v13 =	vadd.s32 $0xFFFFFFFF, v13;
	v15, _, _ =	vpop (xrf0)  }
0xb7: {  	v14 =	vadd.s32 v15, v14;
	_ =	sdelay $0x2  }
.Ltmp13:
0xb8: {  	(pc) =	sbr.rel @!p2 .LBB2_17-.Ltmp13, $4  }
0xb9: {  	[tilespmem:v13+s29+$0x0] =	vst.idx.msk vm0, v8  }
0xba: {  	s31 =	sadd.s32 $0x10, s31;
	[tilespmem:v14+s29+$0x0] =	vst.idx.msk vm1, v8  }
0xbb: {  	v8 =	vld [tilespmem:s31+$0x0]  }
0xbc: {  	s0 =	sadd.s32 $0xFFFFFFFF, s0  }
.LBB2_18:
0xbd: {  	_ = 	snop  }
0xbe: {  	s0 =	sadd.s32 @p1 $0x10, s30;
	s29 =	simm.s32 $0x0  }
0xbf: {  	s29 =	smov.u32 @p1 s0  }
0xc0: {  	v11 =	vor.u32 s29, v2;
	v12 =	vand.u32 $0x1000000, v8  }
0xc1: {  	vm0 =	vlt.s32 v11, v4;
	vm1 =	veq.s32 v12, $0x0  }
0xc2: {  	vm1 =	vmand vm0, vm1  }
0xc3: {  	vm2 =	vne.s32 v12, $0x0;
	v60 =	vsel vm1, $0x1, v3  }
0xc4: {  	vm0 =	vmand vm0, vm2;
	(xrf0) =	vadd.scan.msk.s32 $0xffff, v60  }
0xc5: {  	v61 =	vsel vm0, $0x1, v3  }
0xc6: {  	(xrf0) =	vadd.scan.msk.s32 $0xffff, v61;
	_ =	sdelay $0x3  }
0xc7: {  	v62, _, _ =	vpop (xrf0)  }
0xc8: {  	v9 =	vadd.s32 v62, v9  }
0xc9: {  	v7 =	vadd.s32 v10, v7;
	v63, _, _ =	vpop (xrf0);
	v9 =	vadd.s32 $0xFFFFFFFF, v9  }
0xca: {  	v7 =	vadd.s32 v63, v7;
	_ =	sdelay $0x2  }
0xcb: {  	s31 =	simm.s32 $0x4000  }
0xcc: {  	[tilespmem:v9+s31+$0x0] =	vst.idx.msk vm1, v8  }
0xcd: {  	[tilespmem:v7+s31+$0x0] =	vst.idx.msk vm0, v8  }
0xce: {  	v7 =	vld [tilespmem:s31+$0x0]  }
.Ltmp14:
0xcf: {  	_ = 	snop;
	(pc) =	sbr.rel @p0 .LBB2_20-.Ltmp14, $2  }
0xd0: {  	_ =	sdelay $0x2  }
0xd1: {  	s0 =	simm.s32 $0x4010;
	v7 =	vand.u32 $0x2000000, v7  }
.LBB2_19:
0xd2: {  	v8 =	vld [tilespmem:s0+$0x0];
	p1 =	seq.s32 s28, $0x1;
	s28 =	sadd.s32 $0xFFFFFFFF, s28;
	vm0 =	vlt.s32 v6, v4;
	vm1 =	veq.s32 v7, $0x0  }
.Ltmp15:
0xd3: {  	vm0 =	vmand vm0, vm1;
	(pc) =	sbr.rel @!p1 .LBB2_19-.Ltmp15, $3  }
0xd4: {  	v6 =	vmpcnt.ones.xlane vm0;
	_ =	sdelay $0x1  }
0xd5: {  	s26 =	sadd.s32 $0x10, s26;
	v5 =	vadd.s32 v5, v6  }
0xd6: {  	s0 =	sadd.s32 $0x10, s0;
	v6 =	vor.u32 s26, v2;
	v7 =	vand.u32 $0x2000000, v8  }
.LBB2_20:
0xd7: {  	vm0 =	vlt.s32 v6, v4;
	vm1 =	veq.s32 v7, $0x0  }
.Ltmp16:
0xd8: {  	vm0 =	vmand vm0, vm1;
	(pc) =	sbr.rel @p0 .LBB2_21-.Ltmp16, $3  }
0xd9: {  	v6 =	vmpcnt.ones.xlane vm0;
	_ =	sdelay $0x1  }
0xda: {  	s0 =	simm.s32 $0x4000;
	s26 =	simm.s32 $0x0;
	v5 =	vadd.s32 v5, v6  }
0xdb: {  	s28 =	sadd.s32 $0xFFFFFFFF, s25;
	p1 =	por $0x0, $0x0;
	v8 =	vld [tilespmem:s0+$0x0];
	v6 =	vor.u32 s26, v2;
	v7 =	vadd.s32 $0xFFFFFFFF, v5;
	v5 =	vimm.s32 $0x0  }
0xdc: {  	_ =	sdelay $0x3  }
0xdd: {  	v9 =	vor.u32 s26, v2;
	v10 =	vand.u32 $0x2000000, v8  }
0xde: {  	vm0 =	vlt.s32 v9, v4;
	vm1 =	veq.s32 v10, $0x0  }
0xdf: {  	vm1 =	vmand vm0, vm1  }
0xe0: {  	vm2 =	vne.s32 v10, $0x0;
	v9 =	vsel vm1, $0x1, v3  }
0xe1: {  	vm0 =	vmand vm0, vm2;
	(xrf0) =	vadd.scan.msk.s32 $0xffff, v9  }
0xe2: {  	v9 =	vsel vm0, $0x1, v3  }
0xe3: {  	(xrf0) =	vadd.scan.msk.s32 $0xffff, v9;
	_ =	sdelay $0x3  }
0xe4: {  	v9, _, _ =	vpop (xrf0)  }
0xe5: {  	v9 =	vadd.s32 v9, v5  }
0xe6: {  	v10 =	vadd.s32 v5, v7;
	v11, _, _ =	vpop (xrf0);
	v9 =	vadd.s32 $0xFFFFFFFF, v9  }
0xe7: {  	v11 =	vadd.s32 v11, v10;
	_ =	sdelay $0x1  }
0xe8: {  	p2 =	seq.s32 s28, $0x1  }
.Ltmp17:
0xe9: {  	s29 =	simm.s32 $0x8080;
	v12 =	vmpcnt.ones.xlane vm0;
	(pc) =	sbr.rel @p2 .LBB2_23-.Ltmp17, $4  }
0xea: {  	v10 =	vmpcnt.ones.xlane vm1;
	[tilespmem:v9+s29+$0x0] =	vst.idx.msk vm1, v8  }
0xeb: {  	s31 =	simm.s32 $0x4010;
	[tilespmem:v11+s29+$0x0] =	vst.idx.msk vm0, v8  }
0xec: {  	v9 =	vadd.s32 v5, v10;
	v10 =	vadd.s32 v5, v12;
	v8 =	vld [tilespmem:s31+$0x0]  }
0xed: {  	s0 =	sadd.s32 $0xFFFFFFFF, s28;
	p1 =	por $0x1, $0x1;
	s30 =	simm.s32 $0x0;
	v11 =	vmov v9;
	v12 =	vmov v10  }
.LBB2_24:
0xee: {  	p2 =	seq.s32 s0, $0x1;
	_ =	sdelay $0x1  }
0xef: {  	s30 =	sadd.s32 $0x10, s30  }
0xf0: {  	v13 =	vor.u32 s30, v2;
	v14 =	vand.u32 $0x2000000, v8  }
0xf1: {  	vm1 =	vlt.s32 v13, v4;
	vm0 =	veq.s32 v14, $0x0  }
0xf2: {  	vm0 =	vmand vm1, vm0  }
0xf3: {  	vm2 =	vne.s32 v14, $0x0;
	v13 =	vsel vm0, $0x1, v3;
	v14 =	vmpcnt.ones.xlane vm0  }
0xf4: {  	vm1 =	vmand vm1, vm2;
	(xrf0) =	vadd.scan.msk.s32 $0xffff, v13  }
0xf5: {  	v13 =	vsel vm1, $0x1, v3;
	v11 =	vadd.s32 v11, v14;
	v14 =	vmpcnt.ones.xlane vm1  }
0xf6: {  	(xrf0) =	vadd.scan.msk.s32 $0xffff, v13  }
0xf7: {  	v12 =	vadd.s32 v12, v14;
	_ =	sdelay $0x2  }
0xf8: {  	v13, _, _ =	vpop (xrf0)  }
0xf9: {  	v13 =	vadd.s32 v13, v9;
	v9 =	vmov v11  }
0xfa: {  	v14 =	vadd.s32 v10, v7;
	v10 =	vmov v12;
	v13 =	vadd.s32 $0xFFFFFFFF, v13;
	v15, _, _ =	vpop (xrf0)  }
0xfb: {  	v14 =	vadd.s32 v15, v14;
	_ =	sdelay $0x2  }
.Ltmp18:
0xfc: {  	(pc) =	sbr.rel @!p2 .LBB2_24-.Ltmp18, $4  }
0xfd: {  	[tilespmem:v13+s29+$0x0] =	vst.idx.msk vm0, v8  }
0xfe: {  	s31 =	sadd.s32 $0x10, s31;
	[tilespmem:v14+s29+$0x0] =	vst.idx.msk vm1, v8  }
0xff: {  	v8 =	vld [tilespmem:s31+$0x0]  }
0x100: {  	s0 =	sadd.s32 $0xFFFFFFFF, s0  }
.LBB2_25:
0x101: {  	_ = 	snop  }
0x102: {  	s0 =	sadd.s32 @p1 $0x10, s30;
	s29 =	simm.s32 $0x0  }
0x103: {  	s29 =	smov.u32 @p1 s0  }
0x104: {  	v11 =	vor.u32 s29, v2;
	v12 =	vand.u32 $0x2000000, v8  }
0x105: {  	vm0 =	vlt.s32 v11, v4;
	vm1 =	veq.s32 v12, $0x0  }
0x106: {  	vm1 =	vmand vm0, vm1  }
0x107: {  	vm2 =	vne.s32 v12, $0x0;
	v60 =	vsel vm1, $0x1, v3  }
0x108: {  	vm0 =	vmand vm0, vm2;
	(xrf0) =	vadd.scan.msk.s32 $0xffff, v60  }
0x109: {  	v61 =	vsel vm0, $0x1, v3  }
0x10a: {  	(xrf0) =	vadd.scan.msk.s32 $0xffff, v61;
	_ =	sdelay $0x3  }
0x10b: {  	v62, _, _ =	vpop (xrf0)  }
0x10c: {  	v9 =	vadd.s32 v62, v9  }
0x10d: {  	v7 =	vadd.s32 v10, v7;
	v63, _, _ =	vpop (xrf0);
	v9 =	vadd.s32 $0xFFFFFFFF, v9  }
0x10e: {  	v7 =	vadd.s32 v63, v7;
	_ =	sdelay $0x2  }
0x10f: {  	s31 =	simm.s32 $0x8080  }
0x110: {  	[tilespmem:v9+s31+$0x0] =	vst.idx.msk vm1, v8  }
0x111: {  	[tilespmem:v7+s31+$0x0] =	vst.idx.msk vm0, v8  }
0x112: {  	v7 =	vld [tilespmem:s31+$0x0]  }
.Ltmp19:
0x113: {  	_ = 	snop;
	(pc) =	sbr.rel @p0 .LBB2_27-.Ltmp19, $2  }
0x114: {  	_ =	sdelay $0x2  }
0x115: {  	s0 =	simm.s32 $0x8090;
	v7 =	vand.u32 $0x4000000, v7  }
.LBB2_26:
0x116: {  	v8 =	vld [tilespmem:s0+$0x0];
	p1 =	seq.s32 s28, $0x1;
	s28 =	sadd.s32 $0xFFFFFFFF, s28;
	vm0 =	vlt.s32 v6, v4;
	vm1 =	veq.s32 v7, $0x0  }
.Ltmp20:
0x117: {  	vm0 =	vmand vm0, vm1;
	(pc) =	sbr.rel @!p1 .LBB2_26-.Ltmp20, $3  }
0x118: {  	v6 =	vmpcnt.ones.xlane vm0;
	_ =	sdelay $0x1  }
0x119: {  	s26 =	sadd.s32 $0x10, s26;
	v5 =	vadd.s32 v5, v6  }
0x11a: {  	s0 =	sadd.s32 $0x10, s0;
	v6 =	vor.u32 s26, v2;
	v7 =	vand.u32 $0x4000000, v8  }
.LBB2_27:
0x11b: {  	vm0 =	vlt.s32 v6, v4;
	vm1 =	veq.s32 v7, $0x0  }
.Ltmp21:
0x11c: {  	vm0 =	vmand vm0, vm1;
	(pc) =	sbr.rel @p0 .LBB2_28-.Ltmp21, $3  }
0x11d: {  	v6 =	vmpcnt.ones.xlane vm0;
	_ =	sdelay $0x1  }
0x11e: {  	s0 =	simm.s32 $0x8080;
	s26 =	simm.s32 $0x0;
	v5 =	vadd.s32 v5, v6  }
0x11f: {  	s28 =	sadd.s32 $0xFFFFFFFF, s25;
	p1 =	por $0x0, $0x0;
	v8 =	vld [tilespmem:s0+$0x0];
	v6 =	vor.u32 s26, v2;
	v7 =	vadd.s32 $0xFFFFFFFF, v5;
	v5 =	vimm.s32 $0x0  }
0x120: {  	_ =	sdelay $0x3  }
0x121: {  	v9 =	vor.u32 s26, v2;
	v10 =	vand.u32 $0x4000000, v8  }
0x122: {  	vm0 =	vlt.s32 v9, v4;
	vm1 =	veq.s32 v10, $0x0  }
0x123: {  	vm1 =	vmand vm0, vm1  }
0x124: {  	vm2 =	vne.s32 v10, $0x0;
	v9 =	vsel vm1, $0x1, v3  }
0x125: {  	vm0 =	vmand vm0, vm2;
	(xrf0) =	vadd.scan.msk.s32 $0xffff, v9  }
0x126: {  	v9 =	vsel vm0, $0x1, v3  }
0x127: {  	(xrf0) =	vadd.scan.msk.s32 $0xffff, v9;
	_ =	sdelay $0x3  }
0x128: {  	v9, _, _ =	vpop (xrf0)  }
0x129: {  	v9 =	vadd.s32 v9, v5  }
0x12a: {  	v10 =	vadd.s32 v5, v7;
	v11, _, _ =	vpop (xrf0);
	v9 =	vadd.s32 $0xFFFFFFFF, v9  }
0x12b: {  	v11 =	vadd.s32 v11, v10;
	_ =	sdelay $0x1  }
0x12c: {  	p2 =	seq.s32 s28, $0x1  }
.Ltmp22:
0x12d: {  	s29 =	simm.s32 $0x4000;
	v12 =	vmpcnt.ones.xlane vm0;
	(pc) =	sbr.rel @p2 .LBB2_30-.Ltmp22, $4  }
0x12e: {  	v10 =	vmpcnt.ones.xlane vm1;
	[tilespmem:v9+s29+$0x0] =	vst.idx.msk vm1, v8  }
0x12f: {  	s31 =	simm.s32 $0x8090;
	[tilespmem:v11+s29+$0x0] =	vst.idx.msk vm0, v8  }
0x130: {  	v9 =	vadd.s32 v5, v10;
	v10 =	vadd.s32 v5, v12;
	v8 =	vld [tilespmem:s31+$0x0]  }
0x131: {  	s0 =	sadd.s32 $0xFFFFFFFF, s28;
	p1 =	por $0x1, $0x1;
	s30 =	simm.s32 $0x0;
	v11 =	vmov v9;
	v12 =	vmov v10  }
.LBB2_31:
0x132: {  	p2 =	seq.s32 s0, $0x1;
	_ =	sdelay $0x1  }
0x133: {  	s30 =	sadd.s32 $0x10, s30  }
0x134: {  	v13 =	vor.u32 s30, v2;
	v14 =	vand.u32 $0x4000000, v8  }
0x135: {  	vm1 =	vlt.s32 v13, v4;
	vm0 =	veq.s32 v14, $0x0  }
0x136: {  	vm0 =	vmand vm1, vm0  }
0x137: {  	vm2 =	vne.s32 v14, $0x0;
	v13 =	vsel vm0, $0x1, v3;
	v14 =	vmpcnt.ones.xlane vm0  }
0x138: {  	vm1 =	vmand vm1, vm2;
	(xrf0) =	vadd.scan.msk.s32 $0xffff, v13  }
0x139: {  	v13 =	vsel vm1, $0x1, v3;
	v11 =	vadd.s32 v11, v14;
	v14 =	vmpcnt.ones.xlane vm1  }
0x13a: {  	(xrf0) =	vadd.scan.msk.s32 $0xffff, v13  }
0x13b: {  	v12 =	vadd.s32 v12, v14;
	_ =	sdelay $0x2  }
0x13c: {  	v13, _, _ =	vpop (xrf0)  }
0x13d: {  	v13 =	vadd.s32 v13, v9;
	v9 =	vmov v11  }
0x13e: {  	v14 =	vadd.s32 v10, v7;
	v10 =	vmov v12;
	v13 =	vadd.s32 $0xFFFFFFFF, v13;
	v15, _, _ =	vpop (xrf0)  }
0x13f: {  	v14 =	vadd.s32 v15, v14;
	_ =	sdelay $0x2  }
.Ltmp23:
0x140: {  	(pc) =	sbr.rel @!p2 .LBB2_31-.Ltmp23, $4  }
0x141: {  	[tilespmem:v13+s29+$0x0] =	vst.idx.msk vm0, v8  }
0x142: {  	s31 =	sadd.s32 $0x10, s31;
	[tilespmem:v14+s29+$0x0] =	vst.idx.msk vm1, v8  }
0x143: {  	v8 =	vld [tilespmem:s31+$0x0]  }
0x144: {  	s0 =	sadd.s32 $0xFFFFFFFF, s0  }
.LBB2_32:
0x145: {  	_ = 	snop  }
0x146: {  	s0 =	sadd.s32 @p1 $0x10, s30;
	s29 =	simm.s32 $0x0  }
0x147: {  	s29 =	smov.u32 @p1 s0  }
0x148: {  	v11 =	vor.u32 s29, v2;
	v12 =	vand.u32 $0x4000000, v8  }
0x149: {  	vm0 =	vlt.s32 v11, v4;
	vm1 =	veq.s32 v12, $0x0  }
0x14a: {  	vm1 =	vmand vm0, vm1  }
0x14b: {  	vm2 =	vne.s32 v12, $0x0;
	v60 =	vsel vm1, $0x1, v3  }
0x14c: {  	vm0 =	vmand vm0, vm2;
	(xrf0) =	vadd.scan.msk.s32 $0xffff, v60  }
0x14d: {  	v61 =	vsel vm0, $0x1, v3  }
0x14e: {  	(xrf0) =	vadd.scan.msk.s32 $0xffff, v61;
	_ =	sdelay $0x3  }
0x14f: {  	v62, _, _ =	vpop (xrf0)  }
0x150: {  	v9 =	vadd.s32 v62, v9  }
0x151: {  	v7 =	vadd.s32 v10, v7;
	v63, _, _ =	vpop (xrf0);
	v9 =	vadd.s32 $0xFFFFFFFF, v9  }
0x152: {  	v7 =	vadd.s32 v63, v7;
	_ =	sdelay $0x2  }
0x153: {  	s31 =	simm.s32 $0x4000  }
0x154: {  	[tilespmem:v9+s31+$0x0] =	vst.idx.msk vm1, v8  }
0x155: {  	[tilespmem:v7+s31+$0x0] =	vst.idx.msk vm0, v8  }
0x156: {  	v7 =	vld [tilespmem:s31+$0x0]  }
.Ltmp24:
0x157: {  	_ = 	snop;
	(pc) =	sbr.rel @p0 .LBB2_34-.Ltmp24, $2  }
0x158: {  	_ =	sdelay $0x2  }
0x159: {  	s0 =	simm.s32 $0x4010;
	v7 =	vand.u32 $0x8000000, v7  }
.LBB2_33:
0x15a: {  	v8 =	vld [tilespmem:s0+$0x0];
	p1 =	seq.s32 s28, $0x1;
	s28 =	sadd.s32 $0xFFFFFFFF, s28;
	vm0 =	vlt.s32 v6, v4;
	vm1 =	veq.s32 v7, $0x0  }
.Ltmp25:
0x15b: {  	vm0 =	vmand vm0, vm1;
	(pc) =	sbr.rel @!p1 .LBB2_33-.Ltmp25, $3  }
0x15c: {  	v6 =	vmpcnt.ones.xlane vm0;
	_ =	sdelay $0x1  }
0x15d: {  	s26 =	sadd.s32 $0x10, s26;
	v5 =	vadd.s32 v5, v6  }
0x15e: {  	s0 =	sadd.s32 $0x10, s0;
	v6 =	vor.u32 s26, v2;
	v7 =	vand.u32 $0x8000000, v8  }
.LBB2_34:
0x15f: {  	vm0 =	vlt.s32 v6, v4;
	vm1 =	veq.s32 v7, $0x0  }
.Ltmp26:
0x160: {  	vm0 =	vmand vm0, vm1;
	(pc) =	sbr.rel @p0 .LBB2_35-.Ltmp26, $3  }
0x161: {  	v6 =	vmpcnt.ones.xlane vm0;
	_ =	sdelay $0x1  }
0x162: {  	s0 =	simm.s32 $0x4000;
	s26 =	simm.s32 $0x0;
	v5 =	vadd.s32 v5, v6  }
0x163: {  	s28 =	sadd.s32 $0xFFFFFFFF, s25;
	p1 =	por $0x0, $0x0;
	v8 =	vld [tilespmem:s0+$0x0];
	v6 =	vor.u32 s26, v2;
	v7 =	vadd.s32 $0xFFFFFFFF, v5;
	v5 =	vimm.s32 $0x0  }
0x164: {  	_ =	sdelay $0x3  }
0x165: {  	v9 =	vor.u32 s26, v2;
	v10 =	vand.u32 $0x8000000, v8  }
0x166: {  	vm0 =	vlt.s32 v9, v4;
	vm1 =	veq.s32 v10, $0x0  }
0x167: {  	vm1 =	vmand vm0, vm1  }
0x168: {  	vm2 =	vne.s32 v10, $0x0;
	v9 =	vsel vm1, $0x1, v3  }
0x169: {  	vm0 =	vmand vm0, vm2;
	(xrf0) =	vadd.scan.msk.s32 $0xffff, v9  }
0x16a: {  	v9 =	vsel vm0, $0x1, v3  }
0x16b: {  	(xrf0) =	vadd.scan.msk.s32 $0xffff, v9;
	_ =	sdelay $0x3  }
0x16c: {  	v9, _, _ =	vpop (xrf0)  }
0x16d: {  	v9 =	vadd.s32 v9, v5  }
0x16e: {  	v10 =	vadd.s32 v5, v7;
	v11, _, _ =	vpop (xrf0);
	v9 =	vadd.s32 $0xFFFFFFFF, v9  }
0x16f: {  	v11 =	vadd.s32 v11, v10;
	_ =	sdelay $0x1  }
0x170: {  	p2 =	seq.s32 s28, $0x1  }
.Ltmp27:
0x171: {  	s29 =	simm.s32 $0x8080;
	v12 =	vmpcnt.ones.xlane vm0;
	(pc) =	sbr.rel @p2 .LBB2_37-.Ltmp27, $4  }
0x172: {  	v10 =	vmpcnt.ones.xlane vm1;
	[tilespmem:v9+s29+$0x0] =	vst.idx.msk vm1, v8  }
0x173: {  	s31 =	simm.s32 $0x4010;
	[tilespmem:v11+s29+$0x0] =	vst.idx.msk vm0, v8  }
0x174: {  	v9 =	vadd.s32 v5, v10;
	v10 =	vadd.s32 v5, v12;
	v8 =	vld [tilespmem:s31+$0x0]  }
0x175: {  	s0 =	sadd.s32 $0xFFFFFFFF, s28;
	p1 =	por $0x1, $0x1;
	s30 =	simm.s32 $0x0;
	v11 =	vmov v9;
	v12 =	vmov v10  }
.LBB2_38:
0x176: {  	p2 =	seq.s32 s0, $0x1;
	_ =	sdelay $0x1  }
0x177: {  	s30 =	sadd.s32 $0x10, s30  }
0x178: {  	v13 =	vor.u32 s30, v2;
	v14 =	vand.u32 $0x8000000, v8  }
0x179: {  	vm1 =	vlt.s32 v13, v4;
	vm0 =	veq.s32 v14, $0x0  }
0x17a: {  	vm0 =	vmand vm1, vm0  }
0x17b: {  	vm2 =	vne.s32 v14, $0x0;
	v13 =	vsel vm0, $0x1, v3;
	v14 =	vmpcnt.ones.xlane vm0  }
0x17c: {  	vm1 =	vmand vm1, vm2;
	(xrf0) =	vadd.scan.msk.s32 $0xffff, v13  }
0x17d: {  	v13 =	vsel vm1, $0x1, v3;
	v11 =	vadd.s32 v11, v14;
	v14 =	vmpcnt.ones.xlane vm1  }
0x17e: {  	(xrf0) =	vadd.scan.msk.s32 $0xffff, v13  }
0x17f: {  	v12 =	vadd.s32 v12, v14;
	_ =	sdelay $0x2  }
0x180: {  	v13, _, _ =	vpop (xrf0)  }
0x181: {  	v13 =	vadd.s32 v13, v9;
	v9 =	vmov v11  }
0x182: {  	v14 =	vadd.s32 v10, v7;
	v10 =	vmov v12;
	v13 =	vadd.s32 $0xFFFFFFFF, v13;
	v15, _, _ =	vpop (xrf0)  }
0x183: {  	v14 =	vadd.s32 v15, v14;
	_ =	sdelay $0x2  }
.Ltmp28:
0x184: {  	(pc) =	sbr.rel @!p2 .LBB2_38-.Ltmp28, $4  }
0x185: {  	[tilespmem:v13+s29+$0x0] =	vst.idx.msk vm0, v8  }
0x186: {  	s31 =	sadd.s32 $0x10, s31;
	[tilespmem:v14+s29+$0x0] =	vst.idx.msk vm1, v8  }
0x187: {  	v8 =	vld [tilespmem:s31+$0x0]  }
0x188: {  	s0 =	sadd.s32 $0xFFFFFFFF, s0  }
.LBB2_39:
0x189: {  	_ = 	snop  }
0x18a: {  	s0 =	sadd.s32 @p1 $0x10, s30;
	s29 =	simm.s32 $0x0  }
0x18b: {  	s29 =	smov.u32 @p1 s0  }
0x18c: {  	v11 =	vor.u32 s29, v2;
	v12 =	vand.u32 $0x8000000, v8  }
0x18d: {  	vm0 =	vlt.s32 v11, v4;
	vm1 =	veq.s32 v12, $0x0  }
0x18e: {  	vm1 =	vmand vm0, vm1  }
0x18f: {  	vm2 =	vne.s32 v12, $0x0;
	v60 =	vsel vm1, $0x1, v3  }
0x190: {  	vm0 =	vmand vm0, vm2;
	(xrf0) =	vadd.scan.msk.s32 $0xffff, v60  }
0x191: {  	v61 =	vsel vm0, $0x1, v3  }
0x192: {  	(xrf0) =	vadd.scan.msk.s32 $0xffff, v61;
	_ =	sdelay $0x3  }
0x193: {  	v62, _, _ =	vpop (xrf0)  }
0x194: {  	v9 =	vadd.s32 v62, v9  }
0x195: {  	v7 =	vadd.s32 v10, v7;
	v63, _, _ =	vpop (xrf0);
	v9 =	vadd.s32 $0xFFFFFFFF, v9  }
0x196: {  	v7 =	vadd.s32 v63, v7;
	_ =	sdelay $0x2  }
0x197: {  	s31 =	simm.s32 $0x8080  }
0x198: {  	[tilespmem:v9+s31+$0x0] =	vst.idx.msk vm1, v8  }
0x199: {  	[tilespmem:v7+s31+$0x0] =	vst.idx.msk vm0, v8  }
0x19a: {  	v7 =	vld [tilespmem:s31+$0x0]  }
.Ltmp29:
0x19b: {  	_ = 	snop;
	(pc) =	sbr.rel @p0 .LBB2_41-.Ltmp29, $2  }
0x19c: {  	_ =	sdelay $0x2  }
0x19d: {  	s0 =	simm.s32 $0x8090;
	v7 =	vand.u32 $0x10000000, v7  }
.LBB2_40:
0x19e: {  	v8 =	vld [tilespmem:s0+$0x0];
	p0 =	seq.s32 s28, $0x1;
	s28 =	sadd.s32 $0xFFFFFFFF, s28;
	vm0 =	vlt.s32 v6, v4;
	vm1 =	veq.s32 v7, $0x0  }
.Ltmp30:
0x19f: {  	vm0 =	vmand vm0, vm1;
	(pc) =	sbr.rel @!p0 .LBB2_40-.Ltmp30, $3  }
0x1a0: {  	v6 =	vmpcnt.ones.xlane vm0;
	_ =	sdelay $0x1  }
0x1a1: {  	s26 =	sadd.s32 $0x10, s26;
	v5 =	vadd.s32 v5, v6  }
0x1a2: {  	s0 =	sadd.s32 $0x10, s0;
	v6 =	vor.u32 s26, v2;
	v7 =	vand.u32 $0x10000000, v8  }
.LBB2_41:
0x1a3: {  	vm0 =	vlt.s32 v6, v4;
	vm1 =	veq.s32 v7, $0x0;
	p1 =	sne.s32 s25, $0x1  }
.Ltmp31:
0x1a4: {  	vm0 =	vmand vm0, vm1;
	(pc) =	sbr.rel @!p1 .LBB2_42-.Ltmp31, $3  }
0x1a5: {  	v6 =	vmpcnt.ones.xlane vm0;
	_ =	sdelay $0x1  }
0x1a6: {  	s0 =	simm.s32 $0x8080;
	v5 =	vadd.s32 v5, v6  }
0x1a7: {  	v9 =	vimm.s32 $0x0;
	s26 =	simm.s32 $0x0;
	p0 =	por $0x0, $0x0;
	v6 =	vld [tilespmem:s0+$0x0];
	s0 =	sadd.s32 $0xFFFFFFFF, s25;
	v5 =	vadd.s32 $0xFFFFFFFF, v5  }
0x1a8: {  	_ =	sdelay $0x3  }
0x1a9: {  	v7 =	vor.u32 s26, v2;
	v8 =	vand.u32 $0x10000000, v6  }
0x1aa: {  	vm0 =	vlt.s32 v7, v4;
	vm1 =	veq.s32 v8, $0x0  }
0x1ab: {  	vm1 =	vmand vm0, vm1  }
0x1ac: {  	vm2 =	vne.s32 v8, $0x0;
	v7 =	vsel vm1, $0x1, v3  }
0x1ad: {  	vm0 =	vmand vm0, vm2;
	(xrf0) =	vadd.scan.msk.s32 $0xffff, v7  }
0x1ae: {  	v7 =	vsel vm0, $0x1, v3  }
0x1af: {  	(xrf0) =	vadd.scan.msk.s32 $0xffff, v7;
	_ =	sdelay $0x3  }
0x1b0: {  	v7, _, _ =	vpop (xrf0)  }
0x1b1: {  	v7 =	vadd.s32 v7, v9  }
0x1b2: {  	v8 =	vadd.s32 v9, v5;
	v10, _, _ =	vpop (xrf0);
	v7 =	vadd.s32 $0xFFFFFFFF, v7  }
0x1b3: {  	v10 =	vadd.s32 v10, v8;
	_ =	sdelay $0x1  }
0x1b4: {  	p1 =	sne.s32 s0, $0x1  }
.Ltmp32:
0x1b5: {  	_ = 	snop;
	(pc) =	sbr.rel @!p1 .LBB2_44-.Ltmp32, $4  }
0x1b6: {  	v11 =	vmpcnt.ones.xlane vm0;
	v8 =	vmpcnt.ones.xlane vm1;
	[tilespmem:v7+s19+$0x0] =	vst.idx.msk vm1, v6  }
0x1b7: {  	s28 =	simm.s32 $0x8090;
	[tilespmem:v10+s19+$0x0] =	vst.idx.msk vm0, v6  }
0x1b8: {  	v8 =	vadd.s32 v9, v8;
	v7 =	vadd.s32 v9, v11;
	v6 =	vld [tilespmem:s28+$0x0]  }
0x1b9: {  	s0 =	sadd.s32 $0xFFFFFFFF, s0;
	p0 =	por $0x1, $0x1;
	s25 =	simm.s32 $0x0;
	v9 =	vmov v8;
	v10 =	vmov v7  }
.LBB2_45:
0x1ba: {  	p1 =	sne.s32 s0, $0x1;
	_ =	sdelay $0x1  }
0x1bb: {  	s25 =	sadd.s32 $0x10, s25  }
0x1bc: {  	v11 =	vor.u32 s25, v2;
	v12 =	vand.u32 $0x10000000, v6  }
0x1bd: {  	vm1 =	vlt.s32 v11, v4;
	vm0 =	veq.s32 v12, $0x0  }
0x1be: {  	vm0 =	vmand vm1, vm0  }
0x1bf: {  	vm2 =	vne.s32 v12, $0x0;
	v11 =	vsel vm0, $0x1, v3;
	v12 =	vmpcnt.ones.xlane vm0  }
0x1c0: {  	vm1 =	vmand vm1, vm2;
	(xrf0) =	vadd.scan.msk.s32 $0xffff, v11  }
0x1c1: {  	v11 =	vsel vm1, $0x1, v3;
	v9 =	vadd.s32 v9, v12;
	v12 =	vmpcnt.ones.xlane vm1  }
0x1c2: {  	(xrf0) =	vadd.scan.msk.s32 $0xffff, v11  }
0x1c3: {  	v10 =	vadd.s32 v10, v12;
	_ =	sdelay $0x2  }
0x1c4: {  	v11, _, _ =	vpop (xrf0)  }
0x1c5: {  	v11 =	vadd.s32 v11, v8;
	v8 =	vmov v9  }
0x1c6: {  	v12 =	vadd.s32 v7, v5;
	v7 =	vmov v10;
	v11 =	vadd.s32 $0xFFFFFFFF, v11;
	v13, _, _ =	vpop (xrf0)  }
0x1c7: {  	v12 =	vadd.s32 v13, v12;
	_ =	sdelay $0x2  }
.Ltmp33:
0x1c8: {  	(pc) =	sbr.rel @p1 .LBB2_45-.Ltmp33, $4  }
0x1c9: {  	[tilespmem:v11+s19+$0x0] =	vst.idx.msk vm0, v6  }
0x1ca: {  	s28 =	sadd.s32 $0x10, s28;
	[tilespmem:v12+s19+$0x0] =	vst.idx.msk vm1, v6  }
0x1cb: {  	v6 =	vld [tilespmem:s28+$0x0]  }
0x1cc: {  	s0 =	sadd.s32 $0xFFFFFFFF, s0  }
0x1cd: {  	v9 =	vmov v8  }
.LBB2_47:
0x1ce: {  	s0 =	sadd.s32 @p0 $0x10, s25  }
0x1cf: {  	s26 =	smov.u32 @p0 s0  }
0x1d0: {  	v8 =	vor.u32 s26, v2;
	v10 =	vand.u32 $0x10000000, v6  }
0x1d1: {  	vm0 =	vlt.s32 v8, v4;
	vm1 =	veq.s32 v10, $0x0  }
0x1d2: {  	vm1 =	vmand vm0, vm1  }
0x1d3: {  	vm2 =	vne.s32 v10, $0x0;
	v4 =	vsel vm1, $0x1, v3  }
0x1d4: {  	vm0 =	vmand vm0, vm2;
	(xrf0) =	vadd.scan.msk.s32 $0xffff, v4  }
0x1d5: {  	v4 =	vsel vm0, $0x1, v3  }
0x1d6: {  	(xrf0) =	vadd.scan.msk.s32 $0xffff, v4;
	_ =	sdelay $0x3  }
0x1d7: {  	v4, _, _ =	vpop (xrf0)  }
0x1d8: {  	v4 =	vadd.s32 v4, v9  }
0x1d9: {  	v5 =	vadd.s32 v7, v5;
	v63, _, _ =	vpop (xrf0);
	v4 =	vadd.s32 $0xFFFFFFFF, v4  }
0x1da: {  	v5 =	vadd.s32 v63, v5;
	_ =	sdelay $0x3  }
0x1db: {  	[tilespmem:v4+s19+$0x0] =	vst.idx.msk vm1, v6  }
0x1dc: {  	[tilespmem:v5+s19+$0x0] =	vst.idx.msk vm0, v6  }
.LBB2_48:
.Ltmp34:
0x1dd: {  	(pc) =	sbr.rel .LBB2_49-.Ltmp34, $2  }
0x1de: {  	_ =	sdelay $0x2  }
0x1df: {  	s25 =	simm.s32 $0x0;
	s26 =	simm.s32 $0x0  }
.LBB2_55:
0x1e0: {  	s0 =	smov.u32 s25  }
0x1e1: {  	s0 =	smov.u32 @p0 s25  }
0x1e2: {  	s25 =	smov.u32 @p1 s0  }
.LBB2_59:
0x1e3: {  	s26 =	sadd.s32 $0x1, s26  }
0x1e4: {  	s0 =	sadd.s32 $0xC, s29;
	p0 =	sne.s32 s26, $0x1F  }
.Ltmp35:
0x1e5: {  	s0 =	smin.u32 s0, s9;
	(pc) =	sbr.rel @!p0 .LBB2_60-.Ltmp35, $4  }
0x1e6: {  	s0 =	sadd.s32 s8, s0  }
0x1e7: {  	s0 =	sshll.u32 s0, $0x7  }
0x1e8: {  	s0 =	sadd.s32 s1, s0  }
0x1e9: {  	[tilespmem:s16], [sflag:$0x2] =	stream.strided.gather [hbm4b:s0+s13], $0x8000, s14, s13, $0x38;
	[tilespmem:$0x1E500] =	vst v63  }
.LBB2_49:
0x1ea: {  	_ =	swait.ge [sflag:s20], $0x8000  }
0x1eb: {  	[sflag:s20] =	ssyncset.done $0x0  }
0x1ec: {  	[sflag:s20] =	ssyncadd.s32 $0xFFFF8000  }
0x1ed: {  	v4 =	vld [tilespmem:s25+$0x4000];
	_ =	sdelay $0x4  }
0x1ee: {  	(v2sf) =	vpush v4, $0x0;
	_ =	sdelay $0xe  }
0x1ef: {  	s0 =	spop (v2sf)  }
0x1f0: {  	s28 =	sshll.u32 s26, $0x1;
	p0 =	sge.s32 s25, s24;
	s29 =	sshrl.u32 s0, $0x17  }
0x1f1: {  	p1 =	sne.s32 @!p0 s29, s28  }
0x1f2: {  	s29 =	sshrl.u32 s0, $0x15;
	p1 =	por p0, p1  }
0x1f3: {  	p2 =	sge.u32 @!p1 s29, s7  }
0x1f4: {  	p2 =	por p1, p2  }
.Ltmp36:
0x1f5: {  	_ = 	snop;
	(pc) =	sbr.rel @p2 .LBB2_50-.Ltmp36, $1  }
0x1f6: {  	_ =	sdelay $0x3  }
0x1f7: {  	s29 =	sshll.u32 s25, $0x2  }
0x1f8: {  	s29 =	sshra.s32 s29, $0x2  }
0x1f9: {  	s30 =	sshll.u32 s25, $0x7;
	s29 =	sadd.s32 $0x4001, s29  }
.LBB2_52:
0x1fa: {  	p0 =	slt.s32 s25, $0x8  }
0x1fb: {  	s31 =	simm.s32 @!p0 $0x3  }
0x1fc: {  	s0 =	sshll.u32 s0, $0x4;
	_ =	swait.ge @!p0 [sflag:s31], $0x80  }
0x1fd: {  	s3 =	sand.u32 $0x380, s30;
	s0 =	sand.u32 $0x3FFF0, s0;
	[sflag:s31] =	ssyncset.done @!p0 $0x0  }
0x1fe: {  	s3 =	sadd.s32 $0x1E100, s3;
	s0 =	sadd.s32 s6, s0;
	[sflag:s31] =	ssyncadd.s32 @!p0 $0xFFFFFF80  }
0x1ff: {  	[hbm4b:s0+s5] =	stream.linear.scatter [tilespmem:s3], [sflag:$0x3], $0x80, $0x38;
	[tilespmem:$0x1E500] =	vst v63  }
0x200: {  	v4 =	vld [tilespmem:s29+$0x0];
	_ =	sdelay $0x4  }
0x201: {  	(v2sf) =	vpush v4, $0x0;
	_ =	sdelay $0xe  }
0x202: {  	s25 =	sadd.s32 $0x1, s25;
	s0 =	spop (v2sf)  }
0x203: {  	p0 =	sge.s32 s25, s24;
	s3 =	sshrl.u32 s0, $0x17  }
0x204: {  	p1 =	sne.s32 @!p0 s3, s28  }
0x205: {  	s3 =	sshrl.u32 s0, $0x15;
	p1 =	por p0, p1  }
0x206: {  	p2 =	slt.u32 @!p1 s3, s7  }
0x207: {  	p2 =	por p1, !p2  }
.Ltmp37:
0x208: {  	_ = 	snop;
	(pc) =	sbr.rel @!p2 .LBB2_52-.Ltmp37, $2  }
0x209: {  	_ =	sdelay $0x2  }
0x20a: {  	s30 =	sadd.s32 $0x80, s30;
	s29 =	sadd.s32 $0x1, s29  }
0x20b: {  	s0 =	smov.u32 s25  }
0x20c: {  	s0 =	smov.u32 @p0 s25  }
0x20d: {  	s25 =	smov.u32 @p1 s0  }
.LBB2_54:
0x20e: {  	s29 =	sshll.u32 s26, $0x3  }
0x20f: {  	s0 =	sadd.s32 $0x8, s29  }
0x210: {  	s0 =	smin.u32 s0, s9  }
0x211: {  	s0 =	sadd.s32 s8, s0  }
0x212: {  	s0 =	sshll.u32 s0, $0x7  }
0x213: {  	s0 =	sadd.s32 s1, s0  }
0x214: {  	[tilespmem:s15], [sflag:$0x1] =	stream.strided.gather [hbm4b:s0+s13], $0x8000, s14, s13, $0x38;
	[tilespmem:$0x1E500] =	vst v63  }
0x215: {  	_ =	swait.ge [sflag:s21], $0x8000  }
0x216: {  	[sflag:s21] =	ssyncset.done $0x0  }
0x217: {  	[sflag:s21] =	ssyncadd.s32 $0xFFFF8000  }
0x218: {  	v4 =	vld [tilespmem:s25+$0x4000];
	_ =	sdelay $0x4  }
0x219: {  	(v2sf) =	vpush v4, $0x0;
	_ =	sdelay $0xe  }
0x21a: {  	s30 =	spop (v2sf)  }
0x21b: {  	p0 =	sge.s32 s25, s24;
	s0 =	sor.u32 $0x1, s28;
	s3 =	sshrl.u32 s30, $0x17  }
0x21c: {  	p1 =	sne.s32 @!p0 s3, s0  }
0x21d: {  	s3 =	sshrl.u32 s30, $0x15;
	p1 =	por p0, p1  }
0x21e: {  	p2 =	sge.u32 @!p1 s3, s7  }
0x21f: {  	p2 =	por p1, p2  }
.Ltmp38:
0x220: {  	_ = 	snop;
	(pc) =	sbr.rel @p2 .LBB2_55-.Ltmp38, $1  }
0x221: {  	_ =	sdelay $0x3  }
0x222: {  	s3 =	sshll.u32 s25, $0x2  }
0x223: {  	s3 =	sshra.s32 s3, $0x2  }
0x224: {  	s31 =	sshll.u32 s25, $0x7;
	s28 =	sadd.s32 $0x4001, s3  }
.LBB2_57:
0x225: {  	p0 =	slt.s32 s25, $0x8  }
0x226: {  	s3 =	simm.s32 @!p0 $0x3  }
0x227: {  	s30 =	sshll.u32 s30, $0x4;
	_ =	swait.ge @!p0 [sflag:s3], $0x80  }
0x228: {  	s2 =	sand.u32 $0x380, s31;
	s30 =	sand.u32 $0x3FFF0, s30;
	[sflag:s3] =	ssyncset.done @!p0 $0x0  }
0x229: {  	s2 =	sadd.s32 $0x1E100, s2;
	[sflag:s3] =	ssyncadd.s32 @!p0 $0xFFFFFF80;
	s3 =	sadd.s32 s6, s30  }
0x22a: {  	[hbm4b:s3+s5] =	stream.linear.scatter [tilespmem:s2], [sflag:$0x3], $0x80, $0x38;
	[tilespmem:$0x1E500] =	vst v63  }
0x22b: {  	v4 =	vld [tilespmem:s28+$0x0];
	_ =	sdelay $0x4  }
0x22c: {  	(v2sf) =	vpush v4, $0x0;
	_ =	sdelay $0xe  }
0x22d: {  	s25 =	sadd.s32 $0x1, s25;
	s30 =	spop (v2sf)  }
0x22e: {  	p0 =	sge.s32 s25, s24;
	s2 =	sshrl.u32 s30, $0x17  }
0x22f: {  	p1 =	sne.s32 @!p0 s2, s0  }
0x230: {  	s2 =	sshrl.u32 s30, $0x15;
	p1 =	por p0, p1  }
0x231: {  	p2 =	slt.u32 @!p1 s2, s7  }
0x232: {  	p2 =	por p1, !p2  }
.Ltmp39:
0x233: {  	_ = 	snop;
	(pc) =	sbr.rel @!p2 .LBB2_57-.Ltmp39, $2  }
0x234: {  	_ =	sdelay $0x2  }
0x235: {  	s31 =	sadd.s32 $0x80, s31;
	s28 =	sadd.s32 $0x1, s28  }
.Ltmp40:
0x236: {  	(pc) =	sbr.rel .LBB2_59-.Ltmp40, $4  }
0x237: {  	_ = 	snop  }
0x238: {  	s0 =	smov.u32 s25  }
0x239: {  	s0 =	smov.u32 @p0 s25  }
0x23a: {  	s25 =	smov.u32 @p1 s0  }
.LBB2_50:
.Ltmp41:
0x23b: {  	(pc) =	sbr.rel .LBB2_54-.Ltmp41, $4  }
0x23c: {  	_ = 	snop  }
0x23d: {  	s0 =	smov.u32 s25  }
0x23e: {  	s0 =	smov.u32 @p0 s25  }
0x23f: {  	s25 =	smov.u32 @p1 s0  }
.LBB2_60:
0x240: {  	_ =	swait.ge [sflag:s20], $0x8000  }
0x241: {  	[sflag:s20] =	ssyncset.done $0x0  }
0x242: {  	[sflag:s20] =	ssyncadd.s32 $0xFFFF8000  }
0x243: {  	_ =	swait.ge [sflag:s21], $0x8000  }
0x244: {  	[sflag:s21] =	ssyncset.done $0x0  }
0x245: {  	[sflag:s21] =	ssyncadd.s32 $0xFFFF8000  }
0x246: {  	v4 =	vld [tilespmem:s25+$0x4000];
	_ =	sdelay $0x4  }
0x247: {  	(v2sf) =	vpush v4, $0x0;
	_ =	sdelay $0xe  }
0x248: {  	s26 =	spop (v2sf)  }
0x249: {  	p0 =	sge.s32 s25, s24;
	s0 =	sshrl.u32 s26, $0x15  }
0x24a: {  	p1 =	sne.s32 @!p0 s0, s7  }
0x24b: {  	p0 =	por p0, p1  }
.Ltmp42:
0x24c: {  	_ = 	snop;
	(pc) =	sbr.rel @p0 .LBB2_63-.Ltmp42, $1  }
0x24d: {  	_ =	sdelay $0x3  }
0x24e: {  	s0 =	sshll.u32 s25, $0x2  }
0x24f: {  	s2 =	sshra.s32 s0, $0x2  }
0x250: {  	s0 =	sadd.s32 $0x1, s25;
	s25 =	sshll.u32 s25, $0x7;
	s28 =	sadd.s32 $0x4001, s2  }
.LBB2_62:
0x251: {  	s2 =	sadd.s32 $0xFFFFFFFF, s0  }
0x252: {  	p0 =	slt.s32 s2, $0x8  }
0x253: {  	s2 =	simm.s32 @!p0 $0x3  }
0x254: {  	s3 =	sshll.u32 s26, $0x4;
	_ =	swait.ge @!p0 [sflag:s2], $0x80  }
0x255: {  	s30 =	sand.u32 $0x380, s25;
	s3 =	sand.u32 $0x3FFF0, s3;
	[sflag:s2] =	ssyncset.done @!p0 $0x0  }
0x256: {  	s31 =	sadd.s32 $0x1E100, s30;
	s3 =	sadd.s32 s6, s3;
	[sflag:s2] =	ssyncadd.s32 @!p0 $0xFFFFFF80  }
0x257: {  	[hbm4b:s3+s5] =	stream.linear.scatter [tilespmem:s31], [sflag:$0x3], $0x80, $0x38;
	[tilespmem:$0x1E500] =	vst v63  }
0x258: {  	v4 =	vld [tilespmem:s28+$0x0];
	_ =	sdelay $0x4  }
0x259: {  	(v2sf) =	vpush v4, $0x0;
	_ =	sdelay $0xe  }
0x25a: {  	s26 =	spop (v2sf)  }
0x25b: {  	p0 =	sge.s32 s0, s24;
	s2 =	sshrl.u32 s26, $0x15  }
0x25c: {  	p1 =	seq.s32 @!p0 s2, s7  }
0x25d: {  	p0 =	por p0, !p1  }
.Ltmp43:
0x25e: {  	_ = 	snop;
	(pc) =	sbr.rel @!p0 .LBB2_62-.Ltmp43, $2  }
0x25f: {  	_ =	sdelay $0x2  }
0x260: {  	s25 =	sadd.s32 $0x80, s25;
	s0 =	sadd.s32 $0x1, s0;
	s28 =	sadd.s32 $0x1, s28  }
.LBB2_63:
0x261: {  	p0 =	slt.s32 s24, $0x1  }
.Ltmp44:
0x262: {  	_ = 	snop;
	(pc) =	sbr.rel @p0 .LBB2_67-.Ltmp44, $1  }
0x263: {  	_ =	sdelay $0x3  }
0x264: {  	p0 =	slt.s32 s24, $0x8  }
0x265: {  	s24 =	simm.s32 @!p0 $0x8  }
0x266: {  	p0 =	sne.s32 s24, $0x1  }
.Ltmp45:
0x267: {  	_ = 	snop;
	(pc) =	sbr.rel @!p0 .LBB2_66-.Ltmp45, $3  }
0x268: {  	_ =	sdelay $0x1  }
0x269: {  	_ =	swait.ge [sflag:s22], $0x80  }
0x26a: {  	[sflag:s22] =	ssyncset.done $0x0;
	s0 =	sadd.s32 $0xFFFFFFFF, s24  }
.LBB2_65:
0x26b: {  	p0 =	sne.s32 s0, $0x1;
	s0 =	sadd.s32 $0xFFFFFFFF, s0;
	[sflag:s22] =	ssyncadd.s32 $0xFFFFFF80  }
.Ltmp46:
0x26c: {  	(pc) =	sbr.rel @p0 .LBB2_65-.Ltmp46, $3  }
0x26d: {  	_ =	sdelay $0x1  }
0x26e: {  	_ =	swait.ge [sflag:s22], $0x80  }
0x26f: {  	[sflag:s22] =	ssyncset.done $0x0  }
.Ltmp47:
0x270: {  	_ = 	snop;
	(pc) =	sbr.rel .LBB2_66-.Ltmp47, $1  }
0x271: {  	_ =	sdelay $0x3  }
.LBB2_7:
.Ltmp48:
0x272: {  	(pc) =	sbr.rel .LBB2_11-.Ltmp48, $2  }
0x273: {  	_ =	sdelay $0x2  }
0x274: {  	s30 =	simm.s32 $0x0;
	v9 =	vimm.s32 $0x0;
	v10 =	vimm.s32 $0x0  }
.LBB2_14:
.Ltmp49:
0x275: {  	(pc) =	sbr.rel .LBB2_18-.Ltmp49, $2  }
0x276: {  	_ =	sdelay $0x2  }
0x277: {  	s30 =	simm.s32 $0x0;
	v9 =	vimm.s32 $0x0;
	v10 =	vimm.s32 $0x0  }
.LBB2_21:
.Ltmp50:
0x278: {  	(pc) =	sbr.rel .LBB2_25-.Ltmp50, $2  }
0x279: {  	_ =	sdelay $0x2  }
0x27a: {  	s30 =	simm.s32 $0x0;
	v9 =	vimm.s32 $0x0;
	v10 =	vimm.s32 $0x0  }
.LBB2_28:
.Ltmp51:
0x27b: {  	(pc) =	sbr.rel .LBB2_32-.Ltmp51, $2  }
0x27c: {  	_ =	sdelay $0x2  }
0x27d: {  	s30 =	simm.s32 $0x0;
	v9 =	vimm.s32 $0x0;
	v10 =	vimm.s32 $0x0  }
.LBB2_35:
.Ltmp52:
0x27e: {  	(pc) =	sbr.rel .LBB2_39-.Ltmp52, $2  }
0x27f: {  	_ =	sdelay $0x2  }
0x280: {  	s30 =	simm.s32 $0x0;
	v9 =	vimm.s32 $0x0;
	v10 =	vimm.s32 $0x0  }
.LBB2_42:
.Ltmp53:
0x281: {  	(pc) =	sbr.rel .LBB2_47-.Ltmp53, $2  }
0x282: {  	_ =	sdelay $0x2  }
0x283: {  	s25 =	simm.s32 $0x0;
	v7 =	vimm.s32 $0x0  }
.LBB2_9:
.Ltmp54:
0x284: {  	(pc) =	sbr.rel .LBB2_11-.Ltmp54, $2  }
0x285: {  	_ =	sdelay $0x2  }
0x286: {  	s30 =	simm.s32 $0x0  }
.LBB2_16:
.Ltmp55:
0x287: {  	(pc) =	sbr.rel .LBB2_18-.Ltmp55, $2  }
0x288: {  	_ =	sdelay $0x2  }
0x289: {  	s30 =	simm.s32 $0x0  }
.LBB2_23:
.Ltmp56:
0x28a: {  	(pc) =	sbr.rel .LBB2_25-.Ltmp56, $2  }
0x28b: {  	_ =	sdelay $0x2  }
0x28c: {  	s30 =	simm.s32 $0x0  }
.LBB2_30:
.Ltmp57:
0x28d: {  	(pc) =	sbr.rel .LBB2_32-.Ltmp57, $2  }
0x28e: {  	_ =	sdelay $0x2  }
0x28f: {  	s30 =	simm.s32 $0x0  }
.LBB2_37:
.Ltmp58:
0x290: {  	(pc) =	sbr.rel .LBB2_39-.Ltmp58, $2  }
0x291: {  	_ =	sdelay $0x2  }
0x292: {  	s30 =	simm.s32 $0x0  }
.LBB2_44:
.Ltmp59:
0x293: {  	(pc) =	sbr.rel .LBB2_47-.Ltmp59, $2  }
0x294: {  	_ =	sdelay $0x2  }
0x295: {  	s25 =	simm.s32 $0x0;
	v9 =	vmov v8  }
.LBB2_68:
0x296: {  	_ =	sfence.sel $0x180000  }
0x297: {  	[bflag:$0x0] =	sbarrier.arrive $0xFFFF  }
0x298: {  	_ =	strace $0x90000047  }
0x299: {  	s0 =	stileid.u32;
	[bflag:$0x2] =	sbarrier.arrive $0xFFFF  }
0x29a: {  	p0 =	sne.s32 s0, $0x0;
	s0 =	rddreg [dreg:$0x4]  }
0x29b: {  	s0 =	sadd.s32 @!p0 $0x100000, s0  }
0x29c: {  	[sflag:s0] =	ssyncadd.tile.s32 @!p0 $0x1;
	_ =	shalt  }
.Lfunc_end2:
_tile_overlayer_lowered:
.L_overlay_start_2:
0x29d: {  	(tag) =	ssettag $0x2  }
0x29e: {  	s0 =	rddreg [dreg:$0x0];
	s2 =	stileid.u32  }
0x29f: {  	s1 =	rddreg [dreg:$0x1];
	p0 =	sne.s32 s2, $0x0  }
0x2a0: {  	s3 =	rddreg [dreg:$0x2];
	[bflag:$0x3] =	sbarrier.arrive $0xFFFF;
	s2 =	simm.s32 @!p0 $0x1C04  }
0x2a1: {  	[timem:s3], [sflag:s2] =	dma.local @!p0 [hbm:s0], s1  }
0x2a2: {  	s0 =	simm.s32 @!p0 $0x4  }
0x2a3: {  	_ =	swait.ge @!p0 [sflag:s0], s1  }
0x2a4: {  	s1 =	ssub.s32 @!p0 $0x0, s1;
	[sflag:s0] =	ssyncset.done @!p0 $0x0  }
0x2a5: {  	[sflag:s0] =	ssyncadd.s32 @!p0 s1  }
0x2a6: {  	[bflag:$0x3] =	sbarrier.arrive $0xFFFF  }
0x2a7: {  	_ =	shalt  }

</sc_bundles>
